<compile_context>
chip_gen: v7x
topology: tpu7x:2x2x1
jax: 0.10.2.dev20260603
libtpu: 0.0.44.dev20260713+nightly
codegen_flags: <defaults>
</compile_context>

<pallas_src>
import functools

import jax
import jax.numpy as jnp
from jax import lax
from jax.experimental import pallas as pl
from jax.experimental.pallas import tpu as pltpu
from jax.experimental.pallas import tpu_sc as plsc

N_SUB = 16
N_CORE = 2
H = 16



def _tc1_body(x_ref, wl_ref, wr_ref, o1_ref, o2_ref):
    xb = x_ref[...]
    y1 = lax.dot_general(xb, wl_ref[...], (((1,), (1,)), ((), ())),
                         preferred_element_type=jnp.float32)
    yr = lax.dot_general(xb, wr_ref[...], (((1,), (1,)), ((), ())),
                         preferred_element_type=jnp.float32)
    o1_ref[...] = jnp.concatenate([y1, jnp.ones_like(y1)], axis=1)
    o2_ref[...] = yr


def _tc3_body(p1_ref, q_ref, h_ref, wl_ref, wr_ref, b_ref, o_ref):
    cnt = p1_ref[0, :, H:] + p1_ref[1, :, H:]
    inv = 1.0 / jnp.maximum(cnt, 1.0)
    q = q_ref[...]
    m2 = (q[0] + q[1]) * inv
    h = h_ref[...]
    out = lax.dot_general(m2, wl_ref[...], (((1,), (1,)), ((), ())),
                          preferred_element_type=jnp.float32)
    out += lax.dot_general(h, wr_ref[...], (((1,), (1,)), ((), ())),
                           preferred_element_type=jnp.float32)
    o_ref[...] = out + b_ref[...]



NBUF = 4


def _edge_loop(table_hbm, src_v, dst_v, rows, acc, sems, n_chunks, chunk):
    dummy = table_hbm.at[pl.ds(0, chunk)]
    for b in range(NBUF):
        pltpu.async_copy(table_hbm.at[src_v.at[b]], rows[b], sems[b])

    def ebody(t, carry):
        for b in range(NBUF):
            j = NBUF * t + b
            pltpu.make_async_copy(dummy, rows[b], sems[b]).wait()
            pltpu.sync_copy(rows[b], acc.at[dst_v.at[j]], add=True)

            @pl.when(j + NBUF < n_chunks)
            def _():
                pltpu.async_copy(table_hbm.at[src_v.at[j + NBUF]],
                                 rows[b], sems[b])
        return carry
    lax.fori_loop(0, n_chunks // NBUF, ebody, 0)


def _make_sc1(n_nodes, n_chunks, chunk):
    d = 2 * H
    rows_per_sub = n_nodes // N_SUB
    mesh = plsc.VectorSubcoreMesh(core_axis_name="c", subcore_axis_name="s")

    @functools.partial(
        pl.kernel, mesh=mesh,
        compiler_params=pltpu.CompilerParams(use_tc_tiling_on_sc=False),
        out_type=jax.ShapeDtypeStruct((N_CORE * n_nodes, d), jnp.float32),
        scratch_types=[
            pltpu.VMEM((n_chunks, chunk), jnp.int32),
            pltpu.VMEM((n_chunks, chunk), jnp.int32),
            pltpu.VMEM((chunk, d), jnp.float32),
            pltpu.VMEM((chunk, d), jnp.float32),
            pltpu.VMEM((chunk, d), jnp.float32),
            pltpu.VMEM((chunk, d), jnp.float32),
            pltpu.VMEM((rows_per_sub, d), jnp.float32),
            pltpu.VMEM_SHARED((n_nodes, d), jnp.float32),
            pltpu.SemaphoreType.DMA,
            pltpu.SemaphoreType.DMA,
            pltpu.SemaphoreType.DMA,
            pltpu.SemaphoreType.DMA,
        ],
    )
    def sc1(table_hbm, src_hbm, dst_hbm, out_hbm,
            src_v, dst_v, r0, r1, r2, r3, stage_v, acc, s0, s1, s2, s3):
        c = lax.axis_index("c")
        s = lax.axis_index("s")
        wid = c * N_SUB + s
        row0 = s * rows_per_sub

        def zbody(i, carry):
            for k in range(d // 16):
                stage_v[i, pl.ds(k * 16, 16)] = jnp.zeros((16,), jnp.float32)
            return carry
        lax.fori_loop(0, rows_per_sub, zbody, 0)
        pltpu.sync_copy(stage_v, acc.at[pl.ds(row0, rows_per_sub)])

        pltpu.sync_copy(src_hbm.at[wid], src_v)
        pltpu.sync_copy(dst_hbm.at[wid], dst_v)

        plsc.subcore_barrier()
        _edge_loop(table_hbm, src_v, dst_v, [r0, r1, r2, r3], acc,
                   [s0, s1, s2, s3], n_chunks, chunk)
        plsc.subcore_barrier()

        pltpu.sync_copy(acc.at[pl.ds(row0, rows_per_sub)], stage_v)
        pltpu.sync_copy(stage_v,
                        out_hbm.at[pl.ds(c * n_nodes + row0, rows_per_sub)])

    return sc1


def _make_sc2(n_nodes, n_chunks, chunk):
    d = H
    rows_per_sub = n_nodes // N_SUB
    mesh = plsc.VectorSubcoreMesh(core_axis_name="c", subcore_axis_name="s")

    @functools.partial(
        pl.kernel, mesh=mesh,
        compiler_params=pltpu.CompilerParams(use_tc_tiling_on_sc=False),
        out_type=[
            jax.ShapeDtypeStruct((N_CORE * n_nodes, d), jnp.float32),
            jax.ShapeDtypeStruct((N_CORE * n_nodes, d), jnp.float32),
        ],
        scratch_types=[
            pltpu.VMEM((n_chunks, chunk), jnp.int32),
            pltpu.VMEM((n_chunks, chunk), jnp.int32),
            pltpu.VMEM((chunk, d), jnp.float32),
            pltpu.VMEM((chunk, d), jnp.float32),
            pltpu.VMEM((chunk, d), jnp.float32),
            pltpu.VMEM((chunk, d), jnp.float32),
            pltpu.VMEM((rows_per_sub, d), jnp.float32),
            pltpu.VMEM((rows_per_sub, 2 * H), jnp.float32),
            pltpu.VMEM((rows_per_sub, 2 * H), jnp.float32),
            pltpu.VMEM((rows_per_sub, H), jnp.float32),
            pltpu.VMEM((H,), jnp.float32),
            pltpu.VMEM_SHARED((n_nodes, d), jnp.float32),
            pltpu.SemaphoreType.DMA,
            pltpu.SemaphoreType.DMA,
            pltpu.SemaphoreType.DMA,
            pltpu.SemaphoreType.DMA,
        ],
    )
    def sc2(p1_hbm, yr_hbm, b_hbm, src_hbm, dst_hbm, out_hbm, h_hbm,
            src_v, dst_v, r0, r1, r2, r3, stage_v, p0_v, p1_v, yr_v, b_v,
            acc, s0, s1, s2, s3):
        c = lax.axis_index("c")
        s = lax.axis_index("s")
        wid = c * N_SUB + s
        row0 = s * rows_per_sub

        pltpu.sync_copy(p1_hbm.at[pl.ds(row0, rows_per_sub)], p0_v)
        pltpu.sync_copy(p1_hbm.at[pl.ds(n_nodes + row0, rows_per_sub)], p1_v)
        pltpu.sync_copy(yr_hbm.at[pl.ds(row0, rows_per_sub)], yr_v)
        pltpu.sync_copy(b_hbm, b_v)
        bvec = b_v[...]

        def hbody(i, carry):
            sm = p0_v[i, pl.ds(0, 16)] + p1_v[i, pl.ds(0, 16)]
            cnt = p0_v[i, pl.ds(16, 16)] + p1_v[i, pl.ds(16, 16)]
            inv = 1.0 / jnp.maximum(cnt, 1.0)
            h = jnp.maximum(sm * inv + bvec + yr_v[i, pl.ds(0, 16)], 0.0)
            stage_v[i, pl.ds(0, 16)] = h
            return carry
        lax.fori_loop(0, rows_per_sub, hbody, 0)
        pltpu.sync_copy(stage_v,
                        h_hbm.at[pl.ds(c * n_nodes + row0, rows_per_sub)])

        def zbody(i, carry):
            stage_v[i, pl.ds(0, 16)] = jnp.zeros((16,), jnp.float32)
            return carry
        lax.fori_loop(0, rows_per_sub, zbody, 0)
        pltpu.sync_copy(stage_v, acc.at[pl.ds(row0, rows_per_sub)])

        pltpu.sync_copy(src_hbm.at[wid], src_v)
        pltpu.sync_copy(dst_hbm.at[wid], dst_v)

        plsc.subcore_barrier()
        _edge_loop(h_hbm, src_v, dst_v, [r0, r1, r2, r3], acc,
                   [s0, s1, s2, s3], n_chunks, chunk)
        plsc.subcore_barrier()

        pltpu.sync_copy(acc.at[pl.ds(row0, rows_per_sub)], stage_v)
        pltpu.sync_copy(stage_v,
                        out_hbm.at[pl.ds(c * n_nodes + row0, rows_per_sub)])

    return sc2



def kernel(x, edge_index, W1l, b1l, W1r, W2l, b2l, W2r):
    ei = jnp.squeeze(edge_index, axis=0) if edge_index.ndim == 3 else edge_index
    src = ei[0].astype(jnp.int32)
    dst = ei[1].astype(jnp.int32)

    n, d_feat = x.shape
    hidden = W1l.shape[0]
    e = src.shape[0]
    n_workers = N_CORE * N_SUB
    per_tile = e // n_workers
    chunk = 125
    n_chunks = per_tile // chunk
    assert per_tile * n_workers == e and n_chunks * chunk == per_tile
    assert n % N_SUB == 0 and n_chunks % 4 == 0 and hidden == H

    src_r = src.reshape(n_workers, n_chunks, chunk)
    dst_r = dst.reshape(n_workers, n_chunks, chunk)
    core_off = (jnp.arange(n_workers, dtype=jnp.int32) // N_SUB) * n
    src2_r = src_r + core_off.reshape(n_workers, 1, 1)

    blk = 1000
    grid = (n // blk,)

    y1aug, yr = pl.pallas_call(
        _tc1_body,
        grid=grid,
        in_specs=[
            pl.BlockSpec((blk, d_feat), lambda i: (i, 0)),
            pl.BlockSpec((hidden, d_feat), lambda i: (0, 0)),
            pl.BlockSpec((hidden, d_feat), lambda i: (0, 0)),
        ],
        out_specs=[
            pl.BlockSpec((blk, 2 * hidden), lambda i: (i, 0)),
            pl.BlockSpec((blk, hidden), lambda i: (i, 0)),
        ],
        out_shape=[
            jax.ShapeDtypeStruct((n, 2 * hidden), jnp.float32),
            jax.ShapeDtypeStruct((n, hidden), jnp.float32),
        ],
    )(x, W1l, W1r)

    p1 = _make_sc1(n, n_chunks, chunk)(y1aug, src_r, dst_r)

    p2, h2 = _make_sc2(n, n_chunks, chunk)(p1, yr, b1l, src2_r, dst_r)
    h = h2[:n]

    p1r = p1.reshape(N_CORE, n, 2 * hidden)
    p2r = p2.reshape(N_CORE, n, hidden)
    out = pl.pallas_call(
        _tc3_body,
        grid=grid,
        in_specs=[
            pl.BlockSpec((N_CORE, blk, 2 * hidden), lambda i: (0, i, 0)),
            pl.BlockSpec((N_CORE, blk, hidden), lambda i: (0, i, 0)),
            pl.BlockSpec((blk, hidden), lambda i: (i, 0)),
            pl.BlockSpec((d_feat, hidden), lambda i: (0, 0)),
            pl.BlockSpec((d_feat, hidden), lambda i: (0, 0)),
            pl.BlockSpec((1, d_feat), lambda i: (0, 0)),
        ],
        out_specs=pl.BlockSpec((blk, d_feat), lambda i: (i, 0)),
        out_shape=jax.ShapeDtypeStruct((n, d_feat), jnp.float32),
    )(p1r, p2r, h, W2l, W2r, b2l.reshape(1, d_feat))

    return out

# --- scband reference (transcript-rebuilt; emitter-appended) ---
"""Pipeline reference for scband-graph-sagemodel-26216480375160 (READ-ONLY COPY).

The authoritative reference and input builder live on the scoring server;
editing this copy changes nothing except your own understanding.
"""

import jax, jax.numpy as jnp
import numpy as np

N_NODES = 10000
N_EDGES = 320000
D_FEAT = 128
HIDDEN = 16


def setup_inputs(seed: int = 0) -> dict:
    key = jax.random.key(seed)
    ks = jax.random.split(key, 8)
    x = jax.random.normal(ks[0], (N_NODES, D_FEAT), dtype=jnp.float32)
    edge_index = jax.random.randint(ks[1], (2, N_EDGES), 0, N_NODES, dtype=jnp.int64)
    s1 = 1.0 / np.sqrt(D_FEAT)
    s2 = 1.0 / np.sqrt(HIDDEN)
    W1l = jax.random.normal(ks[2], (HIDDEN, D_FEAT), dtype=jnp.float32) * s1
    b1l = jnp.zeros((HIDDEN,), dtype=jnp.float32)
    W1r = jax.random.normal(ks[3], (HIDDEN, D_FEAT), dtype=jnp.float32) * s1
    W2l = jax.random.normal(ks[4], (D_FEAT, HIDDEN), dtype=jnp.float32) * s2
    b2l = jnp.zeros((D_FEAT,), dtype=jnp.float32)
    W2r = jax.random.normal(ks[5], (D_FEAT, HIDDEN), dtype=jnp.float32) * s2
    return {"x": x, "edge_index": edge_index, "W1l": W1l, "b1l": b1l, "W1r": W1r,
            "W2l": W2l, "b2l": b2l, "W2r": W2r}


def _sage_conv(x, src, dst, Wl, bl, Wr, n_nodes):
    # PyG SAGEConv (aggr='mean', normalize=False):
    #   out = lin_l(mean_{j in N(i)} x_j) + lin_r(x_i)
    msgs = jnp.take(x, src, axis=0)                     # gather source features
    summed = jax.ops.segment_sum(msgs, dst, num_segments=n_nodes)
    cnt = jax.ops.segment_sum(jnp.ones((src.shape[0],), dtype=x.dtype), dst,
                              num_segments=n_nodes)
    mean = summed / jnp.maximum(cnt, 1.0)[:, None]
    return mean @ Wl.T + bl + x @ Wr.T


def reference(x, edge_index, W1l, b1l, W1r, W2l, b2l, W2r):
    edge_index = jnp.squeeze(edge_index, axis=0) if edge_index.ndim == 3 else edge_index
    src = edge_index[0]
    dst = edge_index[1]
    n = x.shape[0]
    h = jax.nn.relu(_sage_conv(x, src, dst, W1l, b1l, W1r, n))
    out = _sage_conv(h, src, dst, W2l, b2l, W2r, n)
    return out

if __name__ == "__main__":
    import jax
    _d = setup_inputs()
    print(jax.jit(kernel)(*tuple(_d.values())))

</pallas_src>

<mosaic_0001>
#map = affine_map<(d0, d1) -> (0, 0)>
#map1 = affine_map<(d0, d1) -> (0, 0, 0)>
module attributes {stable_mosaic.version = 14 : i64} {
  func.func @sc1(%arg0: i32, %arg1: i32, %arg2: memref<10000x32xf32, #tpu.memory_space<hbm>>, %arg3: memref<32x80x125xi32, #tpu.memory_space<hbm>>, %arg4: memref<32x80x125xi32, #tpu.memory_space<hbm>>, %arg5: memref<20000x32xf32, #tpu.memory_space<hbm>>, %arg6: memref<80x125xi32, #tpu.memory_space<vmem>>, %arg7: memref<80x125xi32, #tpu.memory_space<vmem>>, %arg8: memref<125x32xf32, #tpu.memory_space<vmem>>, %arg9: memref<125x32xf32, #tpu.memory_space<vmem>>, %arg10: memref<125x32xf32, #tpu.memory_space<vmem>>, %arg11: memref<125x32xf32, #tpu.memory_space<vmem>>, %arg12: memref<625x32xf32, #tpu.memory_space<vmem>>, %arg13: memref<10000x32xf32, #tpu.memory_space<vmem_shared>>, %arg14: memref<!tpu.dma_semaphore, #tpu.memory_space<semaphore_mem>>, %arg15: memref<!tpu.dma_semaphore, #tpu.memory_space<semaphore_mem>>, %arg16: memref<!tpu.dma_semaphore, #tpu.memory_space<semaphore_mem>>, %arg17: memref<!tpu.dma_semaphore, #tpu.memory_space<semaphore_mem>>) attributes {dimension_semantics = [#tpu.dimension_semantics<core_parallel>, #tpu.dimension_semantics<subcore_parallel>], iteration_bounds = array<i64: 2, 16>, scalar_prefetch = 0 : i64, scratch_operands = 12 : i64, tpu.core_type = #tpu.core_type<sc_vector_subcore>, window_params = [{transform_indices = #map}, {transform_indices = #map1}, {transform_indices = #map1}, {transform_indices = #map}]} {
    %mul3A = arith.constant 16 : i32
    %mul3A_0 = arith.muli %arg0, %mul3A : i32
    %add3A = arith.addi %mul3A_0, %arg1 : i32
    %mul3A_1 = arith.constant 625 : i32
    %mul3A_2 = arith.muli %arg1, %mul3A_1 : i32
    %scan3A = arith.constant 0 : i32
    %scan3A_3 = arith.constant 0 : i32
    %scan3A_4 = arith.constant 625 : i32
    %scan3A_5 = arith.addi %scan3A_3, %scan3A_4 : i32
    %scan3A_6 = arith.constant 1 : i32
    scf.for %scan3A_45 = %scan3A_3 to %scan3A_5 step %scan3A_6  : i32 {
      %broadcast_in_dim3A = arith.constant 0.000000e+00 : f32
      %broadcast_in_dim3A_46 = vector.broadcast %broadcast_in_dim3A : f32 to vector<16xf32>
      %swap3A = arith.index_cast %scan3A_45 : i32 to index
      %swap3A_47 = arith.constant 0 : index
      %swap3A_48 = tpu.vector_load %arg12[%swap3A, %swap3A_47] {strides = array<i32>} : memref<625x32xf32, #tpu.memory_space<vmem>>, vector<1x16xf32>,
      %swap3A_49 = vector.shape_cast %swap3A_48 : vector<1x16xf32> to vector<16xf32>
      %swap3A_50 = vector.shape_cast %broadcast_in_dim3A_46 : vector<16xf32> to vector<1x16xf32>
      tpu.vector_store %arg12[%swap3A, %swap3A_47], %swap3A_50 {strides = array<i32>} : memref<625x32xf32, #tpu.memory_space<vmem>>, vector<1x16xf32>,
      %broadcast_in_dim3A_51 = arith.constant 0.000000e+00 : f32
      %broadcast_in_dim3A_52 = vector.broadcast %broadcast_in_dim3A_51 : f32 to vector<16xf32>
      %swap3A_53 = arith.index_cast %scan3A_45 : i32 to index
      %swap3A_54 = arith.constant 16 : index
      %swap3A_55 = tpu.vector_load %arg12[%swap3A_53, %swap3A_54] {strides = array<i32>} : memref<625x32xf32, #tpu.memory_space<vmem>>, vector<1x16xf32>,
      %swap3A_56 = vector.shape_cast %swap3A_55 : vector<1x16xf32> to vector<16xf32>
      %swap3A_57 = vector.shape_cast %broadcast_in_dim3A_52 : vector<16xf32> to vector<1x16xf32>
      tpu.vector_store %arg12[%swap3A_53, %swap3A_54], %swap3A_57 {strides = array<i32>} : memref<625x32xf32, #tpu.memory_space<vmem>>, vector<1x16xf32>,
    }
    %scan3A_7 = arith.constant 625 : i32
    "tpu.region"() ({
      %run_scoped3A = tpu.sem_alloc : memref<!tpu.dma_semaphore, #tpu.memory_space<semaphore_mem>>
      %dma_start3A_45 = arith.constant 0 : i32
      %dma_start3A_46 = tpu.memref_slice %arg13[%mul3A_2, %dma_start3A_45] : memref<10000x32xf32, #tpu.memory_space<vmem_shared>> -> memref<625x32xf32, #tpu.memory_space<vmem_shared>>
      %dma_start3A_47 = arith.constant 0 : i32
      %dma_start3A_48 = tpu.memref_slice %arg13[%mul3A_2, %dma_start3A_47] : memref<10000x32xf32, #tpu.memory_space<vmem_shared>> -> memref<625x32xf32, #tpu.memory_space<vmem_shared>>
      tpu.enqueue_dma source(%arg12 : memref<625x32xf32, #tpu.memory_space<vmem>>) target(%dma_start3A_48 : memref<625x32xf32, #tpu.memory_space<vmem_shared>>) target_semaphore(%run_scoped3A : memref<!tpu.dma_semaphore, #tpu.memory_space<semaphore_mem>>)
      %dma_wait3A = arith.constant 0 : i32
      %dma_wait3A_49 = tpu.memref_slice %arg13[%mul3A_2, %dma_wait3A] : memref<10000x32xf32, #tpu.memory_space<vmem_shared>> -> memref<625x32xf32, #tpu.memory_space<vmem_shared>>
      %dma_wait3A_50 = arith.constant 0 : i32
      %dma_wait3A_51 = tpu.memref_slice %arg13[%mul3A_2, %dma_wait3A_50] : memref<10000x32xf32, #tpu.memory_space<vmem_shared>> -> memref<625x32xf32, #tpu.memory_space<vmem_shared>>
      tpu.wait_dma2 semaphore(%run_scoped3A : memref<!tpu.dma_semaphore, #tpu.memory_space<semaphore_mem>>) src(%arg12 : memref<625x32xf32, #tpu.memory_space<vmem>>) dst(%dma_wait3A_51 : memref<625x32xf32, #tpu.memory_space<vmem_shared>>)
      tpu.yield
    }) : () -> ()
    "tpu.region"() ({
      %run_scoped3A = tpu.sem_alloc : memref<!tpu.dma_semaphore, #tpu.memory_space<semaphore_mem>>
      %dma_start3A_45 = arith.constant 0 : i32
      %dma_start3A_46 = arith.constant 0 : i32
      %dma_start3A_47 = tpu.memref_slice %arg3[%add3A, %dma_start3A_45, %dma_start3A_46] : memref<32x80x125xi32, #tpu.memory_space<hbm>> -> memref<1x80x125xi32, #tpu.memory_space<hbm>>
      %dma_start3A_48 = tpu.memref_squeeze %dma_start3A_47 : memref<1x80x125xi32, #tpu.memory_space<hbm>> -> memref<80x125xi32, #tpu.memory_space<hbm>>
      %dma_start3A_49 = arith.constant 0 : i32
      %dma_start3A_50 = arith.constant 0 : i32
      %dma_start3A_51 = tpu.memref_slice %arg3[%add3A, %dma_start3A_49, %dma_start3A_50] : memref<32x80x125xi32, #tpu.memory_space<hbm>> -> memref<1x80x125xi32, #tpu.memory_space<hbm>>
      %dma_start3A_52 = tpu.memref_squeeze %dma_start3A_51 : memref<1x80x125xi32, #tpu.memory_space<hbm>> -> memref<80x125xi32, #tpu.memory_space<hbm>>
      tpu.enqueue_dma source(%dma_start3A_52 : memref<80x125xi32, #tpu.memory_space<hbm>>) target(%arg6 : memref<80x125xi32, #tpu.memory_space<vmem>>) target_semaphore(%run_scoped3A : memref<!tpu.dma_semaphore, #tpu.memory_space<semaphore_mem>>)
      %dma_wait3A = arith.constant 0 : i32
      %dma_wait3A_53 = arith.constant 0 : i32
      %dma_wait3A_54 = tpu.memref_slice %arg3[%add3A, %dma_wait3A, %dma_wait3A_53] : memref<32x80x125xi32, #tpu.memory_space<hbm>> -> memref<1x80x125xi32, #tpu.memory_space<hbm>>
      %dma_wait3A_55 = tpu.memref_squeeze %dma_wait3A_54 : memref<1x80x125xi32, #tpu.memory_space<hbm>> -> memref<80x125xi32, #tpu.memory_space<hbm>>
      %dma_wait3A_56 = arith.constant 0 : i32
      %dma_wait3A_57 = arith.constant 0 : i32
      %dma_wait3A_58 = tpu.memref_slice %arg3[%add3A, %dma_wait3A_56, %dma_wait3A_57] : memref<32x80x125xi32, #tpu.memory_space<hbm>> -> memref<1x80x125xi32, #tpu.memory_space<hbm>>
      %dma_wait3A_59 = tpu.memref_squeeze %dma_wait3A_58 : memref<1x80x125xi32, #tpu.memory_space<hbm>> -> memref<80x125xi32, #tpu.memory_space<hbm>>
      tpu.wait_dma2 semaphore(%run_scoped3A : memref<!tpu.dma_semaphore, #tpu.memory_space<semaphore_mem>>) src(%dma_wait3A_59 : memref<80x125xi32, #tpu.memory_space<hbm>>) dst(%arg6 : memref<80x125xi32, #tpu.memory_space<vmem>>)
      tpu.yield
    }) : () -> ()
    "tpu.region"() ({
      %run_scoped3A = tpu.sem_alloc : memref<!tpu.dma_semaphore, #tpu.memory_space<semaphore_mem>>
      %dma_start3A_45 = arith.constant 0 : i32
      %dma_start3A_46 = arith.constant 0 : i32
      %dma_start3A_47 = tpu.memref_slice %arg4[%add3A, %dma_start3A_45, %dma_start3A_46] : memref<32x80x125xi32, #tpu.memory_space<hbm>> -> memref<1x80x125xi32, #tpu.memory_space<hbm>>
      %dma_start3A_48 = tpu.memref_squeeze %dma_start3A_47 : memref<1x80x125xi32, #tpu.memory_space<hbm>> -> memref<80x125xi32, #tpu.memory_space<hbm>>
      %dma_start3A_49 = arith.constant 0 : i32
      %dma_start3A_50 = arith.constant 0 : i32
      %dma_start3A_51 = tpu.memref_slice %arg4[%add3A, %dma_start3A_49, %dma_start3A_50] : memref<32x80x125xi32, #tpu.memory_space<hbm>> -> memref<1x80x125xi32, #tpu.memory_space<hbm>>
      %dma_start3A_52 = tpu.memref_squeeze %dma_start3A_51 : memref<1x80x125xi32, #tpu.memory_space<hbm>> -> memref<80x125xi32, #tpu.memory_space<hbm>>
      tpu.enqueue_dma source(%dma_start3A_52 : memref<80x125xi32, #tpu.memory_space<hbm>>) target(%arg7 : memref<80x125xi32, #tpu.memory_space<vmem>>) target_semaphore(%run_scoped3A : memref<!tpu.dma_semaphore, #tpu.memory_space<semaphore_mem>>)
      %dma_wait3A = arith.constant 0 : i32
      %dma_wait3A_53 = arith.constant 0 : i32
      %dma_wait3A_54 = tpu.memref_slice %arg4[%add3A, %dma_wait3A, %dma_wait3A_53] : memref<32x80x125xi32, #tpu.memory_space<hbm>> -> memref<1x80x125xi32, #tpu.memory_space<hbm>>
      %dma_wait3A_55 = tpu.memref_squeeze %dma_wait3A_54 : memref<1x80x125xi32, #tpu.memory_space<hbm>> -> memref<80x125xi32, #tpu.memory_space<hbm>>
      %dma_wait3A_56 = arith.constant 0 : i32
      %dma_wait3A_57 = arith.constant 0 : i32
      %dma_wait3A_58 = tpu.memref_slice %arg4[%add3A, %dma_wait3A_56, %dma_wait3A_57] : memref<32x80x125xi32, #tpu.memory_space<hbm>> -> memref<1x80x125xi32, #tpu.memory_space<hbm>>
      %dma_wait3A_59 = tpu.memref_squeeze %dma_wait3A_58 : memref<1x80x125xi32, #tpu.memory_space<hbm>> -> memref<80x125xi32, #tpu.memory_space<hbm>>
      tpu.wait_dma2 semaphore(%run_scoped3A : memref<!tpu.dma_semaphore, #tpu.memory_space<semaphore_mem>>) src(%dma_wait3A_59 : memref<80x125xi32, #tpu.memory_space<hbm>>) dst(%arg7 : memref<80x125xi32, #tpu.memory_space<vmem>>)
      tpu.yield
    }) : () -> ()
    %barrier3A = arith.constant 0 : index
    tpu.barrier barrier_id(%barrier3A)
    %dma_start3A = arith.constant 0 : i32
    %dma_start3A_8 = arith.constant 0 : i32
    %dma_start3A_9 = tpu.memref_slice %arg6[%dma_start3A, %dma_start3A_8] : memref<80x125xi32, #tpu.memory_space<vmem>> -> memref<1x125xi32, #tpu.memory_space<vmem>>
    %dma_start3A_10 = tpu.memref_squeeze %dma_start3A_9 : memref<1x125xi32, #tpu.memory_space<vmem>> -> memref<125xi32, #tpu.memory_space<vmem>>
    %dma_start3A_11 = arith.constant 0 : i32
    %dma_start3A_12 = arith.constant 0 : i32
    %dma_start3A_13 = tpu.memref_slice %arg2[%dma_start3A_11, %dma_start3A_12] : memref<10000x32xf32, #tpu.memory_space<hbm>> -> memref<10000x32xf32, #tpu.memory_space<hbm>>
    tpu.enqueue_indirect_dma source(%dma_start3A_13 : memref<10000x32xf32, #tpu.memory_space<hbm>>) target(%arg8 : memref<125x32xf32, #tpu.memory_space<vmem>>) offsets(%dma_start3A_10 : memref<125xi32, #tpu.memory_space<vmem>>) semaphore(%arg14 : memref<!tpu.dma_semaphore, #tpu.memory_space<semaphore_mem>>)
    %dma_start3A_14 = arith.constant 1 : i32
    %dma_start3A_15 = arith.constant 0 : i32
    %dma_start3A_16 = tpu.memref_slice %arg6[%dma_start3A_14, %dma_start3A_15] : memref<80x125xi32, #tpu.memory_space<vmem>> -> memref<1x125xi32, #tpu.memory_space<vmem>>
    %dma_start3A_17 = tpu.memref_squeeze %dma_start3A_16 : memref<1x125xi32, #tpu.memory_space<vmem>> -> memref<125xi32, #tpu.memory_space<vmem>>
    %dma_start3A_18 = arith.constant 0 : i32
    %dma_start3A_19 = arith.constant 0 : i32
    %dma_start3A_20 = tpu.memref_slice %arg2[%dma_start3A_18, %dma_start3A_19] : memref<10000x32xf32, #tpu.memory_space<hbm>> -> memref<10000x32xf32, #tpu.memory_space<hbm>>
    tpu.enqueue_indirect_dma source(%dma_start3A_20 : memref<10000x32xf32, #tpu.memory_space<hbm>>) target(%arg9 : memref<125x32xf32, #tpu.memory_space<vmem>>) offsets(%dma_start3A_17 : memref<125xi32, #tpu.memory_space<vmem>>) semaphore(%arg15 : memref<!tpu.dma_semaphore, #tpu.memory_space<semaphore_mem>>)
    %dma_start3A_21 = arith.constant 2 : i32
    %dma_start3A_22 = arith.constant 0 : i32
    %dma_start3A_23 = tpu.memref_slice %arg6[%dma_start3A_21, %dma_start3A_22] : memref<80x125xi32, #tpu.memory_space<vmem>> -> memref<1x125xi32, #tpu.memory_space<vmem>>
    %dma_start3A_24 = tpu.memref_squeeze %dma_start3A_23 : memref<1x125xi32, #tpu.memory_space<vmem>> -> memref<125xi32, #tpu.memory_space<vmem>>
    %dma_start3A_25 = arith.constant 0 : i32
    %dma_start3A_26 = arith.constant 0 : i32
    %dma_start3A_27 = tpu.memref_slice %arg2[%dma_start3A_25, %dma_start3A_26] : memref<10000x32xf32, #tpu.memory_space<hbm>> -> memref<10000x32xf32, #tpu.memory_space<hbm>>
    tpu.enqueue_indirect_dma source(%dma_start3A_27 : memref<10000x32xf32, #tpu.memory_space<hbm>>) target(%arg10 : memref<125x32xf32, #tpu.memory_space<vmem>>) offsets(%dma_start3A_24 : memref<125xi32, #tpu.memory_space<vmem>>) semaphore(%arg16 : memref<!tpu.dma_semaphore, #tpu.memory_space<semaphore_mem>>)
    %dma_start3A_28 = arith.constant 3 : i32
    %dma_start3A_29 = arith.constant 0 : i32
    %dma_start3A_30 = tpu.memref_slice %arg6[%dma_start3A_28, %dma_start3A_29] : memref<80x125xi32, #tpu.memory_space<vmem>> -> memref<1x125xi32, #tpu.memory_space<vmem>>
    %dma_start3A_31 = tpu.memref_squeeze %dma_start3A_30 : memref<1x125xi32, #tpu.memory_space<vmem>> -> memref<125xi32, #tpu.memory_space<vmem>>
    %dma_start3A_32 = arith.constant 0 : i32
    %dma_start3A_33 = arith.constant 0 : i32
    %dma_start3A_34 = tpu.memref_slice %arg2[%dma_start3A_32, %dma_start3A_33] : memref<10000x32xf32, #tpu.memory_space<hbm>> -> memref<10000x32xf32, #tpu.memory_space<hbm>>
    tpu.enqueue_indirect_dma source(%dma_start3A_34 : memref<10000x32xf32, #tpu.memory_space<hbm>>) target(%arg11 : memref<125x32xf32, #tpu.memory_space<vmem>>) offsets(%dma_start3A_31 : memref<125xi32, #tpu.memory_space<vmem>>) semaphore(%arg17 : memref<!tpu.dma_semaphore, #tpu.memory_space<semaphore_mem>>)
    %scan3A_35 = arith.constant 0 : i32
    %scan3A_36 = arith.constant 0 : i32
    %scan3A_37 = arith.constant 20 : i32
    %scan3A_38 = arith.addi %scan3A_36, %scan3A_37 : i32
    %scan3A_39 = arith.constant 1 : i32
    scf.for %scan3A_45 = %scan3A_36 to %scan3A_38 step %scan3A_39  : i32 {
      %mul3A_46 = arith.constant 4 : i32
      %mul3A_47 = arith.muli %mul3A_46, %scan3A_45 : i32
      %add3A_48 = arith.constant 0 : i32
      %add3A_49 = arith.addi %mul3A_47, %add3A_48 : i32
      %dma_wait3A = arith.constant 0 : i32
      %dma_wait3A_50 = arith.constant 0 : i32
      %dma_wait3A_51 = tpu.memref_slice %arg2[%dma_wait3A, %dma_wait3A_50] : memref<10000x32xf32, #tpu.memory_space<hbm>> -> memref<125x32xf32, #tpu.memory_space<hbm>>
      %dma_wait3A_52 = arith.constant 0 : i32
      %dma_wait3A_53 = arith.constant 0 : i32
      %dma_wait3A_54 = tpu.memref_slice %arg2[%dma_wait3A_52, %dma_wait3A_53] : memref<10000x32xf32, #tpu.memory_space<hbm>> -> memref<125x32xf32, #tpu.memory_space<hbm>>
      tpu.wait_dma2 semaphore(%arg14 : memref<!tpu.dma_semaphore, #tpu.memory_space<semaphore_mem>>) src(%dma_wait3A_54 : memref<125x32xf32, #tpu.memory_space<hbm>>) dst(%arg8 : memref<125x32xf32, #tpu.memory_space<vmem>>)
      "tpu.region"() ({
        %run_scoped3A = tpu.sem_alloc : memref<!tpu.dma_semaphore, #tpu.memory_space<semaphore_mem>>
        %dma_start3A_110 = arith.constant 0 : i32
        %dma_start3A_111 = tpu.memref_slice %arg7[%add3A_49, %dma_start3A_110] : memref<80x125xi32, #tpu.memory_space<vmem>> -> memref<1x125xi32, #tpu.memory_space<vmem>>
        %dma_start3A_112 = tpu.memref_squeeze %dma_start3A_111 : memref<1x125xi32, #tpu.memory_space<vmem>> -> memref<125xi32, #tpu.memory_space<vmem>>
        %dma_start3A_113 = arith.constant 0 : i32
        %dma_start3A_114 = arith.constant 0 : i32
        %dma_start3A_115 = tpu.memref_slice %arg13[%dma_start3A_113, %dma_start3A_114] : memref<10000x32xf32, #tpu.memory_space<vmem_shared>> -> memref<10000x32xf32, #tpu.memory_space<vmem_shared>>
        tpu.enqueue_indirect_dma source(%arg8 : memref<125x32xf32, #tpu.memory_space<vmem>>) target(%dma_start3A_115 : memref<10000x32xf32, #tpu.memory_space<vmem_shared>>) offsets(%dma_start3A_112 : memref<125xi32, #tpu.memory_space<vmem>>) semaphore(%run_scoped3A : memref<!tpu.dma_semaphore, #tpu.memory_space<semaphore_mem>>) {add = true}
        %dma_wait3A_116 = arith.constant 0 : i32
        %dma_wait3A_117 = tpu.memref_slice %arg7[%add3A_49, %dma_wait3A_116] : memref<80x125xi32, #tpu.memory_space<vmem>> -> memref<1x125xi32, #tpu.memory_space<vmem>>
        %dma_wait3A_118 = tpu.memref_squeeze %dma_wait3A_117 : memref<1x125xi32, #tpu.memory_space<vmem>> -> memref<125xi32, #tpu.memory_space<vmem>>
        %dma_wait3A_119 = arith.constant 0 : i32
        %dma_wait3A_120 = arith.constant 0 : i32
        %dma_wait3A_121 = tpu.memref_slice %arg13[%dma_wait3A_119, %dma_wait3A_120] : memref<10000x32xf32, #tpu.memory_space<vmem_shared>> -> memref<10000x32xf32, #tpu.memory_space<vmem_shared>>
        tpu.wait_indirect_dma semaphore(%run_scoped3A : memref<!tpu.dma_semaphore, #tpu.memory_space<semaphore_mem>>) src(%arg8 : memref<125x32xf32, #tpu.memory_space<vmem>>) dst(%dma_wait3A_121 : memref<10000x32xf32, #tpu.memory_space<vmem_shared>>)
        tpu.yield
      }) : () -> ()
      %add3A_55 = arith.constant 4 : i32
      %add3A_56 = arith.addi %add3A_49, %add3A_55 : i32
      %lt3A = arith.constant 80 : i32
      %lt3A_57 = arith.cmpi slt, %add3A_56, %lt3A : i32
      %convert_element_type3A = arith.extui %lt3A_57 : i1 to i32
      %cond3A = arith.constant 0 : i32
      %cond3A_58 = arith.cmpi ne, %convert_element_type3A, %cond3A : i32
      scf.if %cond3A_58 {
        %add3A_110 = arith.constant 4 : i32
        %add3A_111 = arith.addi %add3A_49, %add3A_110 : i32
        %dma_start3A_112 = arith.constant 0 : i32
        %dma_start3A_113 = tpu.memref_slice %arg6[%add3A_111, %dma_start3A_112] : memref<80x125xi32, #tpu.memory_space<vmem>> -> memref<1x125xi32, #tpu.memory_space<vmem>>
        %dma_start3A_114 = tpu.memref_squeeze %dma_start3A_113 : memref<1x125xi32, #tpu.memory_space<vmem>> -> memref<125xi32, #tpu.memory_space<vmem>>
        %dma_start3A_115 = arith.constant 0 : i32
        %dma_start3A_116 = arith.constant 0 : i32
        %dma_start3A_117 = tpu.memref_slice %arg2[%dma_start3A_115, %dma_start3A_116] : memref<10000x32xf32, #tpu.memory_space<hbm>> -> memref<10000x32xf32, #tpu.memory_space<hbm>>
        tpu.enqueue_indirect_dma source(%dma_start3A_117 : memref<10000x32xf32, #tpu.memory_space<hbm>>) target(%arg8 : memref<125x32xf32, #tpu.memory_space<vmem>>) offsets(%dma_start3A_114 : memref<125xi32, #tpu.memory_space<vmem>>) semaphore(%arg14 : memref<!tpu.dma_semaphore, #tpu.memory_space<semaphore_mem>>)
      } else {
      }
      %mul3A_59 = arith.constant 4 : i32
      %mul3A_60 = arith.muli %mul3A_59, %scan3A_45 : i32
      %add3A_61 = arith.constant 1 : i32
      %add3A_62 = arith.addi %mul3A_60, %add3A_61 : i32
      %dma_wait3A_63 = arith.constant 0 : i32
      %dma_wait3A_64 = arith.constant 0 : i32
      %dma_wait3A_65 = tpu.memref_slice %arg2[%dma_wait3A_63, %dma_wait3A_64] : memref<10000x32xf32, #tpu.memory_space<hbm>> -> memref<125x32xf32, #tpu.memory_space<hbm>>
      %dma_wait3A_66 = arith.constant 0 : i32
      %dma_wait3A_67 = arith.constant 0 : i32
      %dma_wait3A_68 = tpu.memref_slice %arg2[%dma_wait3A_66, %dma_wait3A_67] : memref<10000x32xf32, #tpu.memory_space<hbm>> -> memref<125x32xf32, #tpu.memory_space<hbm>>
      tpu.wait_dma2 semaphore(%arg15 : memref<!tpu.dma_semaphore, #tpu.memory_space<semaphore_mem>>) src(%dma_wait3A_68 : memref<125x32xf32, #tpu.memory_space<hbm>>) dst(%arg9 : memref<125x32xf32, #tpu.memory_space<vmem>>)
      "tpu.region"() ({
        %run_scoped3A = tpu.sem_alloc : memref<!tpu.dma_semaphore, #tpu.memory_space<semaphore_mem>>
        %dma_start3A_110 = arith.constant 0 : i32
        %dma_start3A_111 = tpu.memref_slice %arg7[%add3A_62, %dma_start3A_110] : memref<80x125xi32, #tpu.memory_space<vmem>> -> memref<1x125xi32, #tpu.memory_space<vmem>>
        %dma_start3A_112 = tpu.memref_squeeze %dma_start3A_111 : memref<1x125xi32, #tpu.memory_space<vmem>> -> memref<125xi32, #tpu.memory_space<vmem>>
        %dma_start3A_113 = arith.constant 0 : i32
        %dma_start3A_114 = arith.constant 0 : i32
        %dma_start3A_115 = tpu.memref_slice %arg13[%dma_start3A_113, %dma_start3A_114] : memref<10000x32xf32, #tpu.memory_space<vmem_shared>> -> memref<10000x32xf32, #tpu.memory_space<vmem_shared>>
        tpu.enqueue_indirect_dma source(%arg9 : memref<125x32xf32, #tpu.memory_space<vmem>>) target(%dma_start3A_115 : memref<10000x32xf32, #tpu.memory_space<vmem_shared>>) offsets(%dma_start3A_112 : memref<125xi32, #tpu.memory_space<vmem>>) semaphore(%run_scoped3A : memref<!tpu.dma_semaphore, #tpu.memory_space<semaphore_mem>>) {add = true}
        %dma_wait3A_116 = arith.constant 0 : i32
        %dma_wait3A_117 = tpu.memref_slice %arg7[%add3A_62, %dma_wait3A_116] : memref<80x125xi32, #tpu.memory_space<vmem>> -> memref<1x125xi32, #tpu.memory_space<vmem>>
        %dma_wait3A_118 = tpu.memref_squeeze %dma_wait3A_117 : memref<1x125xi32, #tpu.memory_space<vmem>> -> memref<125xi32, #tpu.memory_space<vmem>>
        %dma_wait3A_119 = arith.constant 0 : i32
        %dma_wait3A_120 = arith.constant 0 : i32
        %dma_wait3A_121 = tpu.memref_slice %arg13[%dma_wait3A_119, %dma_wait3A_120] : memref<10000x32xf32, #tpu.memory_space<vmem_shared>> -> memref<10000x32xf32, #tpu.memory_space<vmem_shared>>
        tpu.wait_indirect_dma semaphore(%run_scoped3A : memref<!tpu.dma_semaphore, #tpu.memory_space<semaphore_mem>>) src(%arg9 : memref<125x32xf32, #tpu.memory_space<vmem>>) dst(%dma_wait3A_121 : memref<10000x32xf32, #tpu.memory_space<vmem_shared>>)
        tpu.yield
      }) : () -> ()
      %add3A_69 = arith.constant 4 : i32
      %add3A_70 = arith.addi %add3A_62, %add3A_69 : i32
      %lt3A_71 = arith.constant 80 : i32
      %lt3A_72 = arith.cmpi slt, %add3A_70, %lt3A_71 : i32
      %convert_element_type3A_73 = arith.extui %lt3A_72 : i1 to i32
      %cond3A_74 = arith.constant 0 : i32
      %cond3A_75 = arith.cmpi ne, %convert_element_type3A_73, %cond3A_74 : i32
      scf.if %cond3A_75 {
        %add3A_110 = arith.constant 4 : i32
        %add3A_111 = arith.addi %add3A_62, %add3A_110 : i32
        %dma_start3A_112 = arith.constant 0 : i32
        %dma_start3A_113 = tpu.memref_slice %arg6[%add3A_111, %dma_start3A_112] : memref<80x125xi32, #tpu.memory_space<vmem>> -> memref<1x125xi32, #tpu.memory_space<vmem>>
        %dma_start3A_114 = tpu.memref_squeeze %dma_start3A_113 : memref<1x125xi32, #tpu.memory_space<vmem>> -> memref<125xi32, #tpu.memory_space<vmem>>
        %dma_start3A_115 = arith.constant 0 : i32
        %dma_start3A_116 = arith.constant 0 : i32
        %dma_start3A_117 = tpu.memref_slice %arg2[%dma_start3A_115, %dma_start3A_116] : memref<10000x32xf32, #tpu.memory_space<hbm>> -> memref<10000x32xf32, #tpu.memory_space<hbm>>
        tpu.enqueue_indirect_dma source(%dma_start3A_117 : memref<10000x32xf32, #tpu.memory_space<hbm>>) target(%arg9 : memref<125x32xf32, #tpu.memory_space<vmem>>) offsets(%dma_start3A_114 : memref<125xi32, #tpu.memory_space<vmem>>) semaphore(%arg15 : memref<!tpu.dma_semaphore, #tpu.memory_space<semaphore_mem>>)
      } else {
      }
      %mul3A_76 = arith.constant 4 : i32
      %mul3A_77 = arith.muli %mul3A_76, %scan3A_45 : i32
      %add3A_78 = arith.constant 2 : i32
      %add3A_79 = arith.addi %mul3A_77, %add3A_78 : i32
      %dma_wait3A_80 = arith.constant 0 : i32
      %dma_wait3A_81 = arith.constant 0 : i32
      %dma_wait3A_82 = tpu.memref_slice %arg2[%dma_wait3A_80, %dma_wait3A_81] : memref<10000x32xf32, #tpu.memory_space<hbm>> -> memref<125x32xf32, #tpu.memory_space<hbm>>
      %dma_wait3A_83 = arith.constant 0 : i32
      %dma_wait3A_84 = arith.constant 0 : i32
      %dma_wait3A_85 = tpu.memref_slice %arg2[%dma_wait3A_83, %dma_wait3A_84] : memref<10000x32xf32, #tpu.memory_space<hbm>> -> memref<125x32xf32, #tpu.memory_space<hbm>>
      tpu.wait_dma2 semaphore(%arg16 : memref<!tpu.dma_semaphore, #tpu.memory_space<semaphore_mem>>) src(%dma_wait3A_85 : memref<125x32xf32, #tpu.memory_space<hbm>>) dst(%arg10 : memref<125x32xf32, #tpu.memory_space<vmem>>)
      "tpu.region"() ({
        %run_scoped3A = tpu.sem_alloc : memref<!tpu.dma_semaphore, #tpu.memory_space<semaphore_mem>>
        %dma_start3A_110 = arith.constant 0 : i32
        %dma_start3A_111 = tpu.memref_slice %arg7[%add3A_79, %dma_start3A_110] : memref<80x125xi32, #tpu.memory_space<vmem>> -> memref<1x125xi32, #tpu.memory_space<vmem>>
        %dma_start3A_112 = tpu.memref_squeeze %dma_start3A_111 : memref<1x125xi32, #tpu.memory_space<vmem>> -> memref<125xi32, #tpu.memory_space<vmem>>
        %dma_start3A_113 = arith.constant 0 : i32
        %dma_start3A_114 = arith.constant 0 : i32
        %dma_start3A_115 = tpu.memref_slice %arg13[%dma_start3A_113, %dma_start3A_114] : memref<10000x32xf32, #tpu.memory_space<vmem_shared>> -> memref<10000x32xf32, #tpu.memory_space<vmem_shared>>
        tpu.enqueue_indirect_dma source(%arg10 : memref<125x32xf32, #tpu.memory_space<vmem>>) target(%dma_start3A_115 : memref<10000x32xf32, #tpu.memory_space<vmem_shared>>) offsets(%dma_start3A_112 : memref<125xi32, #tpu.memory_space<vmem>>) semaphore(%run_scoped3A : memref<!tpu.dma_semaphore, #tpu.memory_space<semaphore_mem>>) {add = true}
        %dma_wait3A_116 = arith.constant 0 : i32
        %dma_wait3A_117 = tpu.memref_slice %arg7[%add3A_79, %dma_wait3A_116] : memref<80x125xi32, #tpu.memory_space<vmem>> -> memref<1x125xi32, #tpu.memory_space<vmem>>
        %dma_wait3A_118 = tpu.memref_squeeze %dma_wait3A_117 : memref<1x125xi32, #tpu.memory_space<vmem>> -> memref<125xi32, #tpu.memory_space<vmem>>
        %dma_wait3A_119 = arith.constant 0 : i32
        %dma_wait3A_120 = arith.constant 0 : i32
        %dma_wait3A_121 = tpu.memref_slice %arg13[%dma_wait3A_119, %dma_wait3A_120] : memref<10000x32xf32, #tpu.memory_space<vmem_shared>> -> memref<10000x32xf32, #tpu.memory_space<vmem_shared>>
        tpu.wait_indirect_dma semaphore(%run_scoped3A : memref<!tpu.dma_semaphore, #tpu.memory_space<semaphore_mem>>) src(%arg10 : memref<125x32xf32, #tpu.memory_space<vmem>>) dst(%dma_wait3A_121 : memref<10000x32xf32, #tpu.memory_space<vmem_shared>>)
        tpu.yield
      }) : () -> ()
      %add3A_86 = arith.constant 4 : i32
      %add3A_87 = arith.addi %add3A_79, %add3A_86 : i32
      %lt3A_88 = arith.constant 80 : i32
      %lt3A_89 = arith.cmpi slt, %add3A_87, %lt3A_88 : i32
      %convert_element_type3A_90 = arith.extui %lt3A_89 : i1 to i32
      %cond3A_91 = arith.constant 0 : i32
      %cond3A_92 = arith.cmpi ne, %convert_element_type3A_90, %cond3A_91 : i32
      scf.if %cond3A_92 {
        %add3A_110 = arith.constant 4 : i32
        %add3A_111 = arith.addi %add3A_79, %add3A_110 : i32
        %dma_start3A_112 = arith.constant 0 : i32
        %dma_start3A_113 = tpu.memref_slice %arg6[%add3A_111, %dma_start3A_112] : memref<80x125xi32, #tpu.memory_space<vmem>> -> memref<1x125xi32, #tpu.memory_space<vmem>>
        %dma_start3A_114 = tpu.memref_squeeze %dma_start3A_113 : memref<1x125xi32, #tpu.memory_space<vmem>> -> memref<125xi32, #tpu.memory_space<vmem>>
        %dma_start3A_115 = arith.constant 0 : i32
        %dma_start3A_116 = arith.constant 0 : i32
        %dma_start3A_117 = tpu.memref_slice %arg2[%dma_start3A_115, %dma_start3A_116] : memref<10000x32xf32, #tpu.memory_space<hbm>> -> memref<10000x32xf32, #tpu.memory_space<hbm>>
        tpu.enqueue_indirect_dma source(%dma_start3A_117 : memref<10000x32xf32, #tpu.memory_space<hbm>>) target(%arg10 : memref<125x32xf32, #tpu.memory_space<vmem>>) offsets(%dma_start3A_114 : memref<125xi32, #tpu.memory_space<vmem>>) semaphore(%arg16 : memref<!tpu.dma_semaphore, #tpu.memory_space<semaphore_mem>>)
      } else {
      }
      %mul3A_93 = arith.constant 4 : i32
      %mul3A_94 = arith.muli %mul3A_93, %scan3A_45 : i32
      %add3A_95 = arith.constant 3 : i32
      %add3A_96 = arith.addi %mul3A_94, %add3A_95 : i32
      %dma_wait3A_97 = arith.constant 0 : i32
      %dma_wait3A_98 = arith.constant 0 : i32
      %dma_wait3A_99 = tpu.memref_slice %arg2[%dma_wait3A_97, %dma_wait3A_98] : memref<10000x32xf32, #tpu.memory_space<hbm>> -> memref<125x32xf32, #tpu.memory_space<hbm>>
      %dma_wait3A_100 = arith.constant 0 : i32
      %dma_wait3A_101 = arith.constant 0 : i32
      %dma_wait3A_102 = tpu.memref_slice %arg2[%dma_wait3A_100, %dma_wait3A_101] : memref<10000x32xf32, #tpu.memory_space<hbm>> -> memref<125x32xf32, #tpu.memory_space<hbm>>
      tpu.wait_dma2 semaphore(%arg17 : memref<!tpu.dma_semaphore, #tpu.memory_space<semaphore_mem>>) src(%dma_wait3A_102 : memref<125x32xf32, #tpu.memory_space<hbm>>) dst(%arg11 : memref<125x32xf32, #tpu.memory_space<vmem>>)
      "tpu.region"() ({
        %run_scoped3A = tpu.sem_alloc : memref<!tpu.dma_semaphore, #tpu.memory_space<semaphore_mem>>
        %dma_start3A_110 = arith.constant 0 : i32
        %dma_start3A_111 = tpu.memref_slice %arg7[%add3A_96, %dma_start3A_110] : memref<80x125xi32, #tpu.memory_space<vmem>> -> memref<1x125xi32, #tpu.memory_space<vmem>>
        %dma_start3A_112 = tpu.memref_squeeze %dma_start3A_111 : memref<1x125xi32, #tpu.memory_space<vmem>> -> memref<125xi32, #tpu.memory_space<vmem>>
        %dma_start3A_113 = arith.constant 0 : i32
        %dma_start3A_114 = arith.constant 0 : i32
        %dma_start3A_115 = tpu.memref_slice %arg13[%dma_start3A_113, %dma_start3A_114] : memref<10000x32xf32, #tpu.memory_space<vmem_shared>> -> memref<10000x32xf32, #tpu.memory_space<vmem_shared>>
        tpu.enqueue_indirect_dma source(%arg11 : memref<125x32xf32, #tpu.memory_space<vmem>>) target(%dma_start3A_115 : memref<10000x32xf32, #tpu.memory_space<vmem_shared>>) offsets(%dma_start3A_112 : memref<125xi32, #tpu.memory_space<vmem>>) semaphore(%run_scoped3A : memref<!tpu.dma_semaphore, #tpu.memory_space<semaphore_mem>>) {add = true}
        %dma_wait3A_116 = arith.constant 0 : i32
        %dma_wait3A_117 = tpu.memref_slice %arg7[%add3A_96, %dma_wait3A_116] : memref<80x125xi32, #tpu.memory_space<vmem>> -> memref<1x125xi32, #tpu.memory_space<vmem>>
        %dma_wait3A_118 = tpu.memref_squeeze %dma_wait3A_117 : memref<1x125xi32, #tpu.memory_space<vmem>> -> memref<125xi32, #tpu.memory_space<vmem>>
        %dma_wait3A_119 = arith.constant 0 : i32
        %dma_wait3A_120 = arith.constant 0 : i32
        %dma_wait3A_121 = tpu.memref_slice %arg13[%dma_wait3A_119, %dma_wait3A_120] : memref<10000x32xf32, #tpu.memory_space<vmem_shared>> -> memref<10000x32xf32, #tpu.memory_space<vmem_shared>>
        tpu.wait_indirect_dma semaphore(%run_scoped3A : memref<!tpu.dma_semaphore, #tpu.memory_space<semaphore_mem>>) src(%arg11 : memref<125x32xf32, #tpu.memory_space<vmem>>) dst(%dma_wait3A_121 : memref<10000x32xf32, #tpu.memory_space<vmem_shared>>)
        tpu.yield
      }) : () -> ()
      %add3A_103 = arith.constant 4 : i32
      %add3A_104 = arith.addi %add3A_96, %add3A_103 : i32
      %lt3A_105 = arith.constant 80 : i32
      %lt3A_106 = arith.cmpi slt, %add3A_104, %lt3A_105 : i32
      %convert_element_type3A_107 = arith.extui %lt3A_106 : i1 to i32
      %cond3A_108 = arith.constant 0 : i32
      %cond3A_109 = arith.cmpi ne, %convert_element_type3A_107, %cond3A_108 : i32
      scf.if %cond3A_109 {
        %add3A_110 = arith.constant 4 : i32
        %add3A_111 = arith.addi %add3A_96, %add3A_110 : i32
        %dma_start3A_112 = arith.constant 0 : i32
        %dma_start3A_113 = tpu.memref_slice %arg6[%add3A_111, %dma_start3A_112] : memref<80x125xi32, #tpu.memory_space<vmem>> -> memref<1x125xi32, #tpu.memory_space<vmem>>
        %dma_start3A_114 = tpu.memref_squeeze %dma_start3A_113 : memref<1x125xi32, #tpu.memory_space<vmem>> -> memref<125xi32, #tpu.memory_space<vmem>>
        %dma_start3A_115 = arith.constant 0 : i32
        %dma_start3A_116 = arith.constant 0 : i32
        %dma_start3A_117 = tpu.memref_slice %arg2[%dma_start3A_115, %dma_start3A_116] : memref<10000x32xf32, #tpu.memory_space<hbm>> -> memref<10000x32xf32, #tpu.memory_space<hbm>>
        tpu.enqueue_indirect_dma source(%dma_start3A_117 : memref<10000x32xf32, #tpu.memory_space<hbm>>) target(%arg11 : memref<125x32xf32, #tpu.memory_space<vmem>>) offsets(%dma_start3A_114 : memref<125xi32, #tpu.memory_space<vmem>>) semaphore(%arg17 : memref<!tpu.dma_semaphore, #tpu.memory_space<semaphore_mem>>)
      } else {
      }
    }
    %scan3A_40 = arith.constant 20 : i32
    %barrier3A_41 = arith.constant 0 : index
    tpu.barrier barrier_id(%barrier3A_41)
    "tpu.region"() ({
      %run_scoped3A = tpu.sem_alloc : memref<!tpu.dma_semaphore, #tpu.memory_space<semaphore_mem>>
      %dma_start3A_45 = arith.constant 0 : i32
      %dma_start3A_46 = tpu.memref_slice %arg13[%mul3A_2, %dma_start3A_45] : memref<10000x32xf32, #tpu.memory_space<vmem_shared>> -> memref<625x32xf32, #tpu.memory_space<vmem_shared>>
      %dma_start3A_47 = arith.constant 0 : i32
      %dma_start3A_48 = tpu.memref_slice %arg13[%mul3A_2, %dma_start3A_47] : memref<10000x32xf32, #tpu.memory_space<vmem_shared>> -> memref<625x32xf32, #tpu.memory_space<vmem_shared>>
      tpu.enqueue_dma source(%dma_start3A_48 : memref<625x32xf32, #tpu.memory_space<vmem_shared>>) target(%arg12 : memref<625x32xf32, #tpu.memory_space<vmem>>) target_semaphore(%run_scoped3A : memref<!tpu.dma_semaphore, #tpu.memory_space<semaphore_mem>>)
      %dma_wait3A = arith.constant 0 : i32
      %dma_wait3A_49 = tpu.memref_slice %arg13[%mul3A_2, %dma_wait3A] : memref<10000x32xf32, #tpu.memory_space<vmem_shared>> -> memref<625x32xf32, #tpu.memory_space<vmem_shared>>
      %dma_wait3A_50 = arith.constant 0 : i32
      %dma_wait3A_51 = tpu.memref_slice %arg13[%mul3A_2, %dma_wait3A_50] : memref<10000x32xf32, #tpu.memory_space<vmem_shared>> -> memref<625x32xf32, #tpu.memory_space<vmem_shared>>
      tpu.wait_dma2 semaphore(%run_scoped3A : memref<!tpu.dma_semaphore, #tpu.memory_space<semaphore_mem>>) src(%dma_wait3A_51 : memref<625x32xf32, #tpu.memory_space<vmem_shared>>) dst(%arg12 : memref<625x32xf32, #tpu.memory_space<vmem>>)
      tpu.yield
    }) : () -> ()
    %mul3A_42 = arith.constant 10000 : i32
    %mul3A_43 = arith.muli %arg0, %mul3A_42 : i32
    %add3A_44 = arith.addi %mul3A_43, %mul3A_2 : i32
    "tpu.region"() ({
      %run_scoped3A = tpu.sem_alloc : memref<!tpu.dma_semaphore, #tpu.memory_space<semaphore_mem>>
      %dma_start3A_45 = arith.constant 0 : i32
      %dma_start3A_46 = tpu.memref_slice %arg5[%add3A_44, %dma_start3A_45] : memref<20000x32xf32, #tpu.memory_space<hbm>> -> memref<625x32xf32, #tpu.memory_space<hbm>>
      %dma_start3A_47 = arith.constant 0 : i32
      %dma_start3A_48 = tpu.memref_slice %arg5[%add3A_44, %dma_start3A_47] : memref<20000x32xf32, #tpu.memory_space<hbm>> -> memref<625x32xf32, #tpu.memory_space<hbm>>
      tpu.enqueue_dma source(%arg12 : memref<625x32xf32, #tpu.memory_space<vmem>>) target(%dma_start3A_48 : memref<625x32xf32, #tpu.memory_space<hbm>>) target_semaphore(%run_scoped3A : memref<!tpu.dma_semaphore, #tpu.memory_space<semaphore_mem>>)
      %dma_wait3A = arith.constant 0 : i32
      %dma_wait3A_49 = tpu.memref_slice %arg5[%add3A_44, %dma_wait3A] : memref<20000x32xf32, #tpu.memory_space<hbm>> -> memref<625x32xf32, #tpu.memory_space<hbm>>
      %dma_wait3A_50 = arith.constant 0 : i32
      %dma_wait3A_51 = tpu.memref_slice %arg5[%add3A_44, %dma_wait3A_50] : memref<20000x32xf32, #tpu.memory_space<hbm>> -> memref<625x32xf32, #tpu.memory_space<hbm>>
      tpu.wait_dma2 semaphore(%run_scoped3A : memref<!tpu.dma_semaphore, #tpu.memory_space<semaphore_mem>>) src(%arg12 : memref<625x32xf32, #tpu.memory_space<vmem>>) dst(%dma_wait3A_51 : memref<625x32xf32, #tpu.memory_space<hbm>>)
      tpu.yield
    }) : () -> ()
    return
  }
}

#map = affine_map<(d0, d1) -> (0, 0)>
#map1 = affine_map<(d0, d1) -> (0)>
#map2 = affine_map<(d0, d1) -> (0, 0, 0)>
module attributes {stable_mosaic.version = 14 : i64} {
  func.func @sc2(%arg0: i32, %arg1: i32, %arg2: memref<20000x32xf32, #tpu.memory_space<hbm>>, %arg3: memref<10000x16xf32, #tpu.memory_space<hbm>>, %arg4: memref<16xf32, #tpu.memory_space<hbm>>, %arg5: memref<32x80x125xi32, #tpu.memory_space<hbm>>, %arg6: memref<32x80x125xi32, #tpu.memory_space<hbm>>, %arg7: memref<20000x16xf32, #tpu.memory_space<hbm>>, %arg8: memref<20000x16xf32, #tpu.memory_space<hbm>>, %arg9: memref<80x125xi32, #tpu.memory_space<vmem>>, %arg10: memref<80x125xi32, #tpu.memory_space<vmem>>, %arg11: memref<125x16xf32, #tpu.memory_space<vmem>>, %arg12: memref<125x16xf32, #tpu.memory_space<vmem>>, %arg13: memref<125x16xf32, #tpu.memory_space<vmem>>, %arg14: memref<125x16xf32, #tpu.memory_space<vmem>>, %arg15: memref<625x16xf32, #tpu.memory_space<vmem>>, %arg16: memref<625x32xf32, #tpu.memory_space<vmem>>, %arg17: memref<625x32xf32, #tpu.memory_space<vmem>>, %arg18: memref<625x16xf32, #tpu.memory_space<vmem>>, %arg19: memref<16xf32, #tpu.memory_space<vmem>>, %arg20: memref<10000x16xf32, #tpu.memory_space<vmem_shared>>, %arg21: memref<!tpu.dma_semaphore, #tpu.memory_space<semaphore_mem>>, %arg22: memref<!tpu.dma_semaphore, #tpu.memory_space<semaphore_mem>>, %arg23: memref<!tpu.dma_semaphore, #tpu.memory_space<semaphore_mem>>, %arg24: memref<!tpu.dma_semaphore, #tpu.memory_space<semaphore_mem>>) attributes {dimension_semantics = [#tpu.dimension_semantics<core_parallel>, #tpu.dimension_semantics<subcore_parallel>], iteration_bounds = array<i64: 2, 16>, scalar_prefetch = 0 : i64, scratch_operands = 16 : i64, tpu.core_type = #tpu.core_type<sc_vector_subcore>, window_params = [{transform_indices = #map}, {transform_indices = #map}, {transform_indices = #map1}, {transform_indices = #map2}, {transform_indices = #map2}, {transform_indices = #map}, {transform_indices = #map}]} {
    %mul3A = arith.constant 16 : i32
    %mul3A_0 = arith.muli %arg0, %mul3A : i32
    %add3A = arith.addi %mul3A_0, %arg1 : i32
    %mul3A_1 = arith.constant 625 : i32
    %mul3A_2 = arith.muli %arg1, %mul3A_1 : i32
    "tpu.region"() ({
      %run_scoped3A = tpu.sem_alloc : memref<!tpu.dma_semaphore, #tpu.memory_space<semaphore_mem>>
      %dma_start3A_58 = arith.constant 0 : i32
      %dma_start3A_59 = tpu.memref_slice %arg2[%mul3A_2, %dma_start3A_58] : memref<20000x32xf32, #tpu.memory_space<hbm>> -> memref<625x32xf32, #tpu.memory_space<hbm>>
      %dma_start3A_60 = arith.constant 0 : i32
      %dma_start3A_61 = tpu.memref_slice %arg2[%mul3A_2, %dma_start3A_60] : memref<20000x32xf32, #tpu.memory_space<hbm>> -> memref<625x32xf32, #tpu.memory_space<hbm>>
      tpu.enqueue_dma source(%dma_start3A_61 : memref<625x32xf32, #tpu.memory_space<hbm>>) target(%arg16 : memref<625x32xf32, #tpu.memory_space<vmem>>) target_semaphore(%run_scoped3A : memref<!tpu.dma_semaphore, #tpu.memory_space<semaphore_mem>>)
      %dma_wait3A = arith.constant 0 : i32
      %dma_wait3A_62 = tpu.memref_slice %arg2[%mul3A_2, %dma_wait3A] : memref<20000x32xf32, #tpu.memory_space<hbm>> -> memref<625x32xf32, #tpu.memory_space<hbm>>
      %dma_wait3A_63 = arith.constant 0 : i32
      %dma_wait3A_64 = tpu.memref_slice %arg2[%mul3A_2, %dma_wait3A_63] : memref<20000x32xf32, #tpu.memory_space<hbm>> -> memref<625x32xf32, #tpu.memory_space<hbm>>
      tpu.wait_dma2 semaphore(%run_scoped3A : memref<!tpu.dma_semaphore, #tpu.memory_space<semaphore_mem>>) src(%dma_wait3A_64 : memref<625x32xf32, #tpu.memory_space<hbm>>) dst(%arg16 : memref<625x32xf32, #tpu.memory_space<vmem>>)
      tpu.yield
    }) : () -> ()
    %add3A_3 = arith.constant 10000 : i32
    %add3A_4 = arith.addi %add3A_3, %mul3A_2 : i32
    "tpu.region"() ({
      %run_scoped3A = tpu.sem_alloc : memref<!tpu.dma_semaphore, #tpu.memory_space<semaphore_mem>>
      %dma_start3A_58 = arith.constant 0 : i32
      %dma_start3A_59 = tpu.memref_slice %arg2[%add3A_4, %dma_start3A_58] : memref<20000x32xf32, #tpu.memory_space<hbm>> -> memref<625x32xf32, #tpu.memory_space<hbm>>
      %dma_start3A_60 = arith.constant 0 : i32
      %dma_start3A_61 = tpu.memref_slice %arg2[%add3A_4, %dma_start3A_60] : memref<20000x32xf32, #tpu.memory_space<hbm>> -> memref<625x32xf32, #tpu.memory_space<hbm>>
      tpu.enqueue_dma source(%dma_start3A_61 : memref<625x32xf32, #tpu.memory_space<hbm>>) target(%arg17 : memref<625x32xf32, #tpu.memory_space<vmem>>) target_semaphore(%run_scoped3A : memref<!tpu.dma_semaphore, #tpu.memory_space<semaphore_mem>>)
      %dma_wait3A = arith.constant 0 : i32
      %dma_wait3A_62 = tpu.memref_slice %arg2[%add3A_4, %dma_wait3A] : memref<20000x32xf32, #tpu.memory_space<hbm>> -> memref<625x32xf32, #tpu.memory_space<hbm>>
      %dma_wait3A_63 = arith.constant 0 : i32
      %dma_wait3A_64 = tpu.memref_slice %arg2[%add3A_4, %dma_wait3A_63] : memref<20000x32xf32, #tpu.memory_space<hbm>> -> memref<625x32xf32, #tpu.memory_space<hbm>>
      tpu.wait_dma2 semaphore(%run_scoped3A : memref<!tpu.dma_semaphore, #tpu.memory_space<semaphore_mem>>) src(%dma_wait3A_64 : memref<625x32xf32, #tpu.memory_space<hbm>>) dst(%arg17 : memref<625x32xf32, #tpu.memory_space<vmem>>)
      tpu.yield
    }) : () -> ()
    "tpu.region"() ({
      %run_scoped3A = tpu.sem_alloc : memref<!tpu.dma_semaphore, #tpu.memory_space<semaphore_mem>>
      %dma_start3A_58 = arith.constant 0 : i32
      %dma_start3A_59 = tpu.memref_slice %arg3[%mul3A_2, %dma_start3A_58] : memref<10000x16xf32, #tpu.memory_space<hbm>> -> memref<625x16xf32, #tpu.memory_space<hbm>>
      %dma_start3A_60 = arith.constant 0 : i32
      %dma_start3A_61 = tpu.memref_slice %arg3[%mul3A_2, %dma_start3A_60] : memref<10000x16xf32, #tpu.memory_space<hbm>> -> memref<625x16xf32, #tpu.memory_space<hbm>>
      tpu.enqueue_dma source(%dma_start3A_61 : memref<625x16xf32, #tpu.memory_space<hbm>>) target(%arg18 : memref<625x16xf32, #tpu.memory_space<vmem>>) target_semaphore(%run_scoped3A : memref<!tpu.dma_semaphore, #tpu.memory_space<semaphore_mem>>)
      %dma_wait3A = arith.constant 0 : i32
      %dma_wait3A_62 = tpu.memref_slice %arg3[%mul3A_2, %dma_wait3A] : memref<10000x16xf32, #tpu.memory_space<hbm>> -> memref<625x16xf32, #tpu.memory_space<hbm>>
      %dma_wait3A_63 = arith.constant 0 : i32
      %dma_wait3A_64 = tpu.memref_slice %arg3[%mul3A_2, %dma_wait3A_63] : memref<10000x16xf32, #tpu.memory_space<hbm>> -> memref<625x16xf32, #tpu.memory_space<hbm>>
      tpu.wait_dma2 semaphore(%run_scoped3A : memref<!tpu.dma_semaphore, #tpu.memory_space<semaphore_mem>>) src(%dma_wait3A_64 : memref<625x16xf32, #tpu.memory_space<hbm>>) dst(%arg18 : memref<625x16xf32, #tpu.memory_space<vmem>>)
      tpu.yield
    }) : () -> ()
    "tpu.region"() ({
      %run_scoped3A = tpu.sem_alloc : memref<!tpu.dma_semaphore, #tpu.memory_space<semaphore_mem>>
      tpu.enqueue_dma source(%arg4 : memref<16xf32, #tpu.memory_space<hbm>>) target(%arg19 : memref<16xf32, #tpu.memory_space<vmem>>) target_semaphore(%run_scoped3A : memref<!tpu.dma_semaphore, #tpu.memory_space<semaphore_mem>>)
      tpu.wait_dma2 semaphore(%run_scoped3A : memref<!tpu.dma_semaphore, #tpu.memory_space<semaphore_mem>>) src(%arg4 : memref<16xf32, #tpu.memory_space<hbm>>) dst(%arg19 : memref<16xf32, #tpu.memory_space<vmem>>)
      tpu.yield
    }) : () -> ()
    %get3A = arith.constant 0 : index
    %get3A_5 = tpu.vector_load %arg19[%get3A] {strides = array<i32>} : memref<16xf32, #tpu.memory_space<vmem>>, vector<16xf32>,
    %get3A_6 = vector.shape_cast %get3A_5 : vector<16xf32> to vector<16xf32>
    %scan3A = arith.constant 0 : i32
    %scan3A_7 = arith.constant 0 : i32
    %scan3A_8 = arith.constant 625 : i32
    %scan3A_9 = arith.addi %scan3A_7, %scan3A_8 : i32
    %scan3A_10 = arith.constant 1 : i32
    scf.for %scan3A_58 = %scan3A_7 to %scan3A_9 step %scan3A_10  : i32 {
      %get3A_59 = arith.index_cast %scan3A_58 : i32 to index
      %get3A_60 = arith.constant 0 : index
      %get3A_61 = tpu.vector_load %arg16[%get3A_59, %get3A_60] {strides = array<i32>} : memref<625x32xf32, #tpu.memory_space<vmem>>, vector<1x16xf32>,
      %get3A_62 = vector.shape_cast %get3A_61 : vector<1x16xf32> to vector<16xf32>
      %get3A_63 = arith.index_cast %scan3A_58 : i32 to index
      %get3A_64 = arith.constant 0 : index
      %get3A_65 = tpu.vector_load %arg17[%get3A_63, %get3A_64] {strides = array<i32>} : memref<625x32xf32, #tpu.memory_space<vmem>>, vector<1x16xf32>,
      %get3A_66 = vector.shape_cast %get3A_65 : vector<1x16xf32> to vector<16xf32>
      %add3A_67 = arith.addf %get3A_62, %get3A_66 : vector<16xf32>
      %get3A_68 = arith.index_cast %scan3A_58 : i32 to index
      %get3A_69 = arith.constant 16 : index
      %get3A_70 = tpu.vector_load %arg16[%get3A_68, %get3A_69] {strides = array<i32>} : memref<625x32xf32, #tpu.memory_space<vmem>>, vector<1x16xf32>,
      %get3A_71 = vector.shape_cast %get3A_70 : vector<1x16xf32> to vector<16xf32>
      %get3A_72 = arith.index_cast %scan3A_58 : i32 to index
      %get3A_73 = arith.constant 16 : index
      %get3A_74 = tpu.vector_load %arg17[%get3A_72, %get3A_73] {strides = array<i32>} : memref<625x32xf32, #tpu.memory_space<vmem>>, vector<1x16xf32>,
      %get3A_75 = vector.shape_cast %get3A_74 : vector<1x16xf32> to vector<16xf32>
      %add3A_76 = arith.addf %get3A_71, %get3A_75 : vector<16xf32>
      %max3A = arith.constant 1.000000e+00 : f32
      %max3A_77 = vector.broadcast %max3A : f32 to vector<16xf32>
      %max3A_78 = arith.maximumf %add3A_76, %max3A_77 : vector<16xf32>
      %div3A = arith.constant 1.000000e+00 : f32
      %div3A_79 = vector.broadcast %div3A : f32 to vector<16xf32>
      %div3A_80 = arith.divf %div3A_79, %max3A_78 : vector<16xf32>
      %mul3A_81 = arith.mulf %add3A_67, %div3A_80 : vector<16xf32>
      %add3A_82 = arith.addf %mul3A_81, %get3A_6 : vector<16xf32>
      %get3A_83 = arith.index_cast %scan3A_58 : i32 to index
      %get3A_84 = arith.constant 0 : index
      %get3A_85 = tpu.vector_load %arg18[%get3A_83, %get3A_84] {strides = array<i32>} : memref<625x16xf32, #tpu.memory_space<vmem>>, vector<1x16xf32>,
      %get3A_86 = vector.shape_cast %get3A_85 : vector<1x16xf32> to vector<16xf32>
      %add3A_87 = arith.addf %add3A_82, %get3A_86 : vector<16xf32>
      %max3A_88 = arith.constant 0.000000e+00 : f32
      %max3A_89 = vector.broadcast %max3A_88 : f32 to vector<16xf32>
      %max3A_90 = arith.maximumf %add3A_87, %max3A_89 : vector<16xf32>
      %swap3A = arith.index_cast %scan3A_58 : i32 to index
      %swap3A_91 = arith.constant 0 : index
      %swap3A_92 = tpu.vector_load %arg15[%swap3A, %swap3A_91] {strides = array<i32>} : memref<625x16xf32, #tpu.memory_space<vmem>>, vector<1x16xf32>,
      %swap3A_93 = vector.shape_cast %swap3A_92 : vector<1x16xf32> to vector<16xf32>
      %swap3A_94 = vector.shape_cast %max3A_90 : vector<16xf32> to vector<1x16xf32>
      tpu.vector_store %arg15[%swap3A, %swap3A_91], %swap3A_94 {strides = array<i32>} : memref<625x16xf32, #tpu.memory_space<vmem>>, vector<1x16xf32>,
    }
    %scan3A_11 = arith.constant 625 : i32
    %mul3A_12 = arith.constant 10000 : i32
    %mul3A_13 = arith.muli %arg0, %mul3A_12 : i32
    %add3A_14 = arith.addi %mul3A_13, %mul3A_2 : i32
    "tpu.region"() ({
      %run_scoped3A = tpu.sem_alloc : memref<!tpu.dma_semaphore, #tpu.memory_space<semaphore_mem>>
      %dma_start3A_58 = arith.constant 0 : i32
      %dma_start3A_59 = tpu.memref_slice %arg8[%add3A_14, %dma_start3A_58] : memref<20000x16xf32, #tpu.memory_space<hbm>> -> memref<625x16xf32, #tpu.memory_space<hbm>>
      %dma_start3A_60 = arith.constant 0 : i32
      %dma_start3A_61 = tpu.memref_slice %arg8[%add3A_14, %dma_start3A_60] : memref<20000x16xf32, #tpu.memory_space<hbm>> -> memref<625x16xf32, #tpu.memory_space<hbm>>
      tpu.enqueue_dma source(%arg15 : memref<625x16xf32, #tpu.memory_space<vmem>>) target(%dma_start3A_61 : memref<625x16xf32, #tpu.memory_space<hbm>>) target_semaphore(%run_scoped3A : memref<!tpu.dma_semaphore, #tpu.memory_space<semaphore_mem>>)
      %dma_wait3A = arith.constant 0 : i32
      %dma_wait3A_62 = tpu.memref_slice %arg8[%add3A_14, %dma_wait3A] : memref<20000x16xf32, #tpu.memory_space<hbm>> -> memref<625x16xf32, #tpu.memory_space<hbm>>
      %dma_wait3A_63 = arith.constant 0 : i32
      %dma_wait3A_64 = tpu.memref_slice %arg8[%add3A_14, %dma_wait3A_63] : memref<20000x16xf32, #tpu.memory_space<hbm>> -> memref<625x16xf32, #tpu.memory_space<hbm>>
      tpu.wait_dma2 semaphore(%run_scoped3A : memref<!tpu.dma_semaphore, #tpu.memory_space<semaphore_mem>>) src(%arg15 : memref<625x16xf32, #tpu.memory_space<vmem>>) dst(%dma_wait3A_64 : memref<625x16xf32, #tpu.memory_space<hbm>>)
      tpu.yield
    }) : () -> ()
    %scan3A_15 = arith.constant 0 : i32
    %scan3A_16 = arith.constant 0 : i32
    %scan3A_17 = arith.constant 625 : i32
    %scan3A_18 = arith.addi %scan3A_16, %scan3A_17 : i32
    %scan3A_19 = arith.constant 1 : i32
    scf.for %scan3A_58 = %scan3A_16 to %scan3A_18 step %scan3A_19  : i32 {
      %broadcast_in_dim3A = arith.constant 0.000000e+00 : f32
      %broadcast_in_dim3A_59 = vector.broadcast %broadcast_in_dim3A : f32 to vector<16xf32>
      %swap3A = arith.index_cast %scan3A_58 : i32 to index
      %swap3A_60 = arith.constant 0 : index
      %swap3A_61 = tpu.vector_load %arg15[%swap3A, %swap3A_60] {strides = array<i32>} : memref<625x16xf32, #tpu.memory_space<vmem>>, vector<1x16xf32>,
      %swap3A_62 = vector.shape_cast %swap3A_61 : vector<1x16xf32> to vector<16xf32>
      %swap3A_63 = vector.shape_cast %broadcast_in_dim3A_59 : vector<16xf32> to vector<1x16xf32>
      tpu.vector_store %arg15[%swap3A, %swap3A_60], %swap3A_63 {strides = array<i32>} : memref<625x16xf32, #tpu.memory_space<vmem>>, vector<1x16xf32>,
    }
    %scan3A_20 = arith.constant 625 : i32
    "tpu.region"() ({
      %run_scoped3A = tpu.sem_alloc : memref<!tpu.dma_semaphore, #tpu.memory_space<semaphore_mem>>
      %dma_start3A_58 = arith.constant 0 : i32
      %dma_start3A_59 = tpu.memref_slice %arg20[%mul3A_2, %dma_start3A_58] : memref<10000x16xf32, #tpu.memory_space<vmem_shared>> -> memref<625x16xf32, #tpu.memory_space<vmem_shared>>
      %dma_start3A_60 = arith.constant 0 : i32
      %dma_start3A_61 = tpu.memref_slice %arg20[%mul3A_2, %dma_start3A_60] : memref<10000x16xf32, #tpu.memory_space<vmem_shared>> -> memref<625x16xf32, #tpu.memory_space<vmem_shared>>
      tpu.enqueue_dma source(%arg15 : memref<625x16xf32, #tpu.memory_space<vmem>>) target(%dma_start3A_61 : memref<625x16xf32, #tpu.memory_space<vmem_shared>>) target_semaphore(%run_scoped3A : memref<!tpu.dma_semaphore, #tpu.memory_space<semaphore_mem>>)
      %dma_wait3A = arith.constant 0 : i32
      %dma_wait3A_62 = tpu.memref_slice %arg20[%mul3A_2, %dma_wait3A] : memref<10000x16xf32, #tpu.memory_space<vmem_shared>> -> memref<625x16xf32, #tpu.memory_space<vmem_shared>>
      %dma_wait3A_63 = arith.constant 0 : i32
      %dma_wait3A_64 = tpu.memref_slice %arg20[%mul3A_2, %dma_wait3A_63] : memref<10000x16xf32, #tpu.memory_space<vmem_shared>> -> memref<625x16xf32, #tpu.memory_space<vmem_shared>>
      tpu.wait_dma2 semaphore(%run_scoped3A : memref<!tpu.dma_semaphore, #tpu.memory_space<semaphore_mem>>) src(%arg15 : memref<625x16xf32, #tpu.memory_space<vmem>>) dst(%dma_wait3A_64 : memref<625x16xf32, #tpu.memory_space<vmem_shared>>)
      tpu.yield
    }) : () -> ()
    "tpu.region"() ({
      %run_scoped3A = tpu.sem_alloc : memref<!tpu.dma_semaphore, #tpu.memory_space<semaphore_mem>>
      %dma_start3A_58 = arith.constant 0 : i32
      %dma_start3A_59 = arith.constant 0 : i32
      %dma_start3A_60 = tpu.memref_slice %arg5[%add3A, %dma_start3A_58, %dma_start3A_59] : memref<32x80x125xi32, #tpu.memory_space<hbm>> -> memref<1x80x125xi32, #tpu.memory_space<hbm>>
      %dma_start3A_61 = tpu.memref_squeeze %dma_start3A_60 : memref<1x80x125xi32, #tpu.memory_space<hbm>> -> memref<80x125xi32, #tpu.memory_space<hbm>>
      %dma_start3A_62 = arith.constant 0 : i32
      %dma_start3A_63 = arith.constant 0 : i32
      %dma_start3A_64 = tpu.memref_slice %arg5[%add3A, %dma_start3A_62, %dma_start3A_63] : memref<32x80x125xi32, #tpu.memory_space<hbm>> -> memref<1x80x125xi32, #tpu.memory_space<hbm>>
      %dma_start3A_65 = tpu.memref_squeeze %dma_start3A_64 : memref<1x80x125xi32, #tpu.memory_space<hbm>> -> memref<80x125xi32, #tpu.memory_space<hbm>>
      tpu.enqueue_dma source(%dma_start3A_65 : memref<80x125xi32, #tpu.memory_space<hbm>>) target(%arg9 : memref<80x125xi32, #tpu.memory_space<vmem>>) target_semaphore(%run_scoped3A : memref<!tpu.dma_semaphore, #tpu.memory_space<semaphore_mem>>)
      %dma_wait3A = arith.constant 0 : i32
      %dma_wait3A_66 = arith.constant 0 : i32
      %dma_wait3A_67 = tpu.memref_slice %arg5[%add3A, %dma_wait3A, %dma_wait3A_66] : memref<32x80x125xi32, #tpu.memory_space<hbm>> -> memref<1x80x125xi32, #tpu.memory_space<hbm>>
      %dma_wait3A_68 = tpu.memref_squeeze %dma_wait3A_67 : memref<1x80x125xi32, #tpu.memory_space<hbm>> -> memref<80x125xi32, #tpu.memory_space<hbm>>
      %dma_wait3A_69 = arith.constant 0 : i32
      %dma_wait3A_70 = arith.constant 0 : i32
      %dma_wait3A_71 = tpu.memref_slice %arg5[%add3A, %dma_wait3A_69, %dma_wait3A_70] : memref<32x80x125xi32, #tpu.memory_space<hbm>> -> memref<1x80x125xi32, #tpu.memory_space<hbm>>
      %dma_wait3A_72 = tpu.memref_squeeze %dma_wait3A_71 : memref<1x80x125xi32, #tpu.memory_space<hbm>> -> memref<80x125xi32, #tpu.memory_space<hbm>>
      tpu.wait_dma2 semaphore(%run_scoped3A : memref<!tpu.dma_semaphore, #tpu.memory_space<semaphore_mem>>) src(%dma_wait3A_72 : memref<80x125xi32, #tpu.memory_space<hbm>>) dst(%arg9 : memref<80x125xi32, #tpu.memory_space<vmem>>)
      tpu.yield
    }) : () -> ()
    "tpu.region"() ({
      %run_scoped3A = tpu.sem_alloc : memref<!tpu.dma_semaphore, #tpu.memory_space<semaphore_mem>>
      %dma_start3A_58 = arith.constant 0 : i32
      %dma_start3A_59 = arith.constant 0 : i32
      %dma_start3A_60 = tpu.memref_slice %arg6[%add3A, %dma_start3A_58, %dma_start3A_59] : memref<32x80x125xi32, #tpu.memory_space<hbm>> -> memref<1x80x125xi32, #tpu.memory_space<hbm>>
      %dma_start3A_61 = tpu.memref_squeeze %dma_start3A_60 : memref<1x80x125xi32, #tpu.memory_space<hbm>> -> memref<80x125xi32, #tpu.memory_space<hbm>>
      %dma_start3A_62 = arith.constant 0 : i32
      %dma_start3A_63 = arith.constant 0 : i32
      %dma_start3A_64 = tpu.memref_slice %arg6[%add3A, %dma_start3A_62, %dma_start3A_63] : memref<32x80x125xi32, #tpu.memory_space<hbm>> -> memref<1x80x125xi32, #tpu.memory_space<hbm>>
      %dma_start3A_65 = tpu.memref_squeeze %dma_start3A_64 : memref<1x80x125xi32, #tpu.memory_space<hbm>> -> memref<80x125xi32, #tpu.memory_space<hbm>>
      tpu.enqueue_dma source(%dma_start3A_65 : memref<80x125xi32, #tpu.memory_space<hbm>>) target(%arg10 : memref<80x125xi32, #tpu.memory_space<vmem>>) target_semaphore(%run_scoped3A : memref<!tpu.dma_semaphore, #tpu.memory_space<semaphore_mem>>)
      %dma_wait3A = arith.constant 0 : i32
      %dma_wait3A_66 = arith.constant 0 : i32
      %dma_wait3A_67 = tpu.memref_slice %arg6[%add3A, %dma_wait3A, %dma_wait3A_66] : memref<32x80x125xi32, #tpu.memory_space<hbm>> -> memref<1x80x125xi32, #tpu.memory_space<hbm>>
      %dma_wait3A_68 = tpu.memref_squeeze %dma_wait3A_67 : memref<1x80x125xi32, #tpu.memory_space<hbm>> -> memref<80x125xi32, #tpu.memory_space<hbm>>
      %dma_wait3A_69 = arith.constant 0 : i32
      %dma_wait3A_70 = arith.constant 0 : i32
      %dma_wait3A_71 = tpu.memref_slice %arg6[%add3A, %dma_wait3A_69, %dma_wait3A_70] : memref<32x80x125xi32, #tpu.memory_space<hbm>> -> memref<1x80x125xi32, #tpu.memory_space<hbm>>
      %dma_wait3A_72 = tpu.memref_squeeze %dma_wait3A_71 : memref<1x80x125xi32, #tpu.memory_space<hbm>> -> memref<80x125xi32, #tpu.memory_space<hbm>>
      tpu.wait_dma2 semaphore(%run_scoped3A : memref<!tpu.dma_semaphore, #tpu.memory_space<semaphore_mem>>) src(%dma_wait3A_72 : memref<80x125xi32, #tpu.memory_space<hbm>>) dst(%arg10 : memref<80x125xi32, #tpu.memory_space<vmem>>)
      tpu.yield
    }) : () -> ()
    %barrier3A = arith.constant 0 : index
    tpu.barrier barrier_id(%barrier3A)
    %dma_start3A = arith.constant 0 : i32
    %dma_start3A_21 = arith.constant 0 : i32
    %dma_start3A_22 = tpu.memref_slice %arg9[%dma_start3A, %dma_start3A_21] : memref<80x125xi32, #tpu.memory_space<vmem>> -> memref<1x125xi32, #tpu.memory_space<vmem>>
    %dma_start3A_23 = tpu.memref_squeeze %dma_start3A_22 : memref<1x125xi32, #tpu.memory_space<vmem>> -> memref<125xi32, #tpu.memory_space<vmem>>
    %dma_start3A_24 = arith.constant 0 : i32
    %dma_start3A_25 = arith.constant 0 : i32
    %dma_start3A_26 = tpu.memref_slice %arg8[%dma_start3A_24, %dma_start3A_25] : memref<20000x16xf32, #tpu.memory_space<hbm>> -> memref<20000x16xf32, #tpu.memory_space<hbm>>
    tpu.enqueue_indirect_dma source(%dma_start3A_26 : memref<20000x16xf32, #tpu.memory_space<hbm>>) target(%arg11 : memref<125x16xf32, #tpu.memory_space<vmem>>) offsets(%dma_start3A_23 : memref<125xi32, #tpu.memory_space<vmem>>) semaphore(%arg21 : memref<!tpu.dma_semaphore, #tpu.memory_space<semaphore_mem>>)
    %dma_start3A_27 = arith.constant 1 : i32
    %dma_start3A_28 = arith.constant 0 : i32
    %dma_start3A_29 = tpu.memref_slice %arg9[%dma_start3A_27, %dma_start3A_28] : memref<80x125xi32, #tpu.memory_space<vmem>> -> memref<1x125xi32, #tpu.memory_space<vmem>>
    %dma_start3A_30 = tpu.memref_squeeze %dma_start3A_29 : memref<1x125xi32, #tpu.memory_space<vmem>> -> memref<125xi32, #tpu.memory_space<vmem>>
    %dma_start3A_31 = arith.constant 0 : i32
    %dma_start3A_32 = arith.constant 0 : i32
    %dma_start3A_33 = tpu.memref_slice %arg8[%dma_start3A_31, %dma_start3A_32] : memref<20000x16xf32, #tpu.memory_space<hbm>> -> memref<20000x16xf32, #tpu.memory_space<hbm>>
    tpu.enqueue_indirect_dma source(%dma_start3A_33 : memref<20000x16xf32, #tpu.memory_space<hbm>>) target(%arg12 : memref<125x16xf32, #tpu.memory_space<vmem>>) offsets(%dma_start3A_30 : memref<125xi32, #tpu.memory_space<vmem>>) semaphore(%arg22 : memref<!tpu.dma_semaphore, #tpu.memory_space<semaphore_mem>>)
    %dma_start3A_34 = arith.constant 2 : i32
    %dma_start3A_35 = arith.constant 0 : i32
    %dma_start3A_36 = tpu.memref_slice %arg9[%dma_start3A_34, %dma_start3A_35] : memref<80x125xi32, #tpu.memory_space<vmem>> -> memref<1x125xi32, #tpu.memory_space<vmem>>
    %dma_start3A_37 = tpu.memref_squeeze %dma_start3A_36 : memref<1x125xi32, #tpu.memory_space<vmem>> -> memref<125xi32, #tpu.memory_space<vmem>>
    %dma_start3A_38 = arith.constant 0 : i32
    %dma_start3A_39 = arith.constant 0 : i32
    %dma_start3A_40 = tpu.memref_slice %arg8[%dma_start3A_38, %dma_start3A_39] : memref<20000x16xf32, #tpu.memory_space<hbm>> -> memref<20000x16xf32, #tpu.memory_space<hbm>>
    tpu.enqueue_indirect_dma source(%dma_start3A_40 : memref<20000x16xf32, #tpu.memory_space<hbm>>) target(%arg13 : memref<125x16xf32, #tpu.memory_space<vmem>>) offsets(%dma_start3A_37 : memref<125xi32, #tpu.memory_space<vmem>>) semaphore(%arg23 : memref<!tpu.dma_semaphore, #tpu.memory_space<semaphore_mem>>)
    %dma_start3A_41 = arith.constant 3 : i32
    %dma_start3A_42 = arith.constant 0 : i32
    %dma_start3A_43 = tpu.memref_slice %arg9[%dma_start3A_41, %dma_start3A_42] : memref<80x125xi32, #tpu.memory_space<vmem>> -> memref<1x125xi32, #tpu.memory_space<vmem>>
    %dma_start3A_44 = tpu.memref_squeeze %dma_start3A_43 : memref<1x125xi32, #tpu.memory_space<vmem>> -> memref<125xi32, #tpu.memory_space<vmem>>
    %dma_start3A_45 = arith.constant 0 : i32
    %dma_start3A_46 = arith.constant 0 : i32
    %dma_start3A_47 = tpu.memref_slice %arg8[%dma_start3A_45, %dma_start3A_46] : memref<20000x16xf32, #tpu.memory_space<hbm>> -> memref<20000x16xf32, #tpu.memory_space<hbm>>
    tpu.enqueue_indirect_dma source(%dma_start3A_47 : memref<20000x16xf32, #tpu.memory_space<hbm>>) target(%arg14 : memref<125x16xf32, #tpu.memory_space<vmem>>) offsets(%dma_start3A_44 : memref<125xi32, #tpu.memory_space<vmem>>) semaphore(%arg24 : memref<!tpu.dma_semaphore, #tpu.memory_space<semaphore_mem>>)
    %scan3A_48 = arith.constant 0 : i32
    %scan3A_49 = arith.constant 0 : i32
    %scan3A_50 = arith.constant 20 : i32
    %scan3A_51 = arith.addi %scan3A_49, %scan3A_50 : i32
    %scan3A_52 = arith.constant 1 : i32
    scf.for %scan3A_58 = %scan3A_49 to %scan3A_51 step %scan3A_52  : i32 {
      %mul3A_59 = arith.constant 4 : i32
      %mul3A_60 = arith.muli %mul3A_59, %scan3A_58 : i32
      %add3A_61 = arith.constant 0 : i32
      %add3A_62 = arith.addi %mul3A_60, %add3A_61 : i32
      %dma_wait3A = arith.constant 0 : i32
      %dma_wait3A_63 = arith.constant 0 : i32
      %dma_wait3A_64 = tpu.memref_slice %arg8[%dma_wait3A, %dma_wait3A_63] : memref<20000x16xf32, #tpu.memory_space<hbm>> -> memref<125x16xf32, #tpu.memory_space<hbm>>
      %dma_wait3A_65 = arith.constant 0 : i32
      %dma_wait3A_66 = arith.constant 0 : i32
      %dma_wait3A_67 = tpu.memref_slice %arg8[%dma_wait3A_65, %dma_wait3A_66] : memref<20000x16xf32, #tpu.memory_space<hbm>> -> memref<125x16xf32, #tpu.memory_space<hbm>>
      tpu.wait_dma2 semaphore(%arg21 : memref<!tpu.dma_semaphore, #tpu.memory_space<semaphore_mem>>) src(%dma_wait3A_67 : memref<125x16xf32, #tpu.memory_space<hbm>>) dst(%arg11 : memref<125x16xf32, #tpu.memory_space<vmem>>)
      "tpu.region"() ({
        %run_scoped3A = tpu.sem_alloc : memref<!tpu.dma_semaphore, #tpu.memory_space<semaphore_mem>>
        %dma_start3A_123 = arith.constant 0 : i32
        %dma_start3A_124 = tpu.memref_slice %arg10[%add3A_62, %dma_start3A_123] : memref<80x125xi32, #tpu.memory_space<vmem>> -> memref<1x125xi32, #tpu.memory_space<vmem>>
        %dma_start3A_125 = tpu.memref_squeeze %dma_start3A_124 : memref<1x125xi32, #tpu.memory_space<vmem>> -> memref<125xi32, #tpu.memory_space<vmem>>
        %dma_start3A_126 = arith.constant 0 : i32
        %dma_start3A_127 = arith.constant 0 : i32
        %dma_start3A_128 = tpu.memref_slice %arg20[%dma_start3A_126, %dma_start3A_127] : memref<10000x16xf32, #tpu.memory_space<vmem_shared>> -> memref<10000x16xf32, #tpu.memory_space<vmem_shared>>
        tpu.enqueue_indirect_dma source(%arg11 : memref<125x16xf32, #tpu.memory_space<vmem>>) target(%dma_start3A_128 : memref<10000x16xf32, #tpu.memory_space<vmem_shared>>) offsets(%dma_start3A_125 : memref<125xi32, #tpu.memory_space<vmem>>) semaphore(%run_scoped3A : memref<!tpu.dma_semaphore, #tpu.memory_space<semaphore_mem>>) {add = true}
        %dma_wait3A_129 = arith.constant 0 : i32
        %dma_wait3A_130 = tpu.memref_slice %arg10[%add3A_62, %dma_wait3A_129] : memref<80x125xi32, #tpu.memory_space<vmem>> -> memref<1x125xi32, #tpu.memory_space<vmem>>
        %dma_wait3A_131 = tpu.memref_squeeze %dma_wait3A_130 : memref<1x125xi32, #tpu.memory_space<vmem>> -> memref<125xi32, #tpu.memory_space<vmem>>
        %dma_wait3A_132 = arith.constant 0 : i32
        %dma_wait3A_133 = arith.constant 0 : i32
        %dma_wait3A_134 = tpu.memref_slice %arg20[%dma_wait3A_132, %dma_wait3A_133] : memref<10000x16xf32, #tpu.memory_space<vmem_shared>> -> memref<10000x16xf32, #tpu.memory_space<vmem_shared>>
        tpu.wait_indirect_dma semaphore(%run_scoped3A : memref<!tpu.dma_semaphore, #tpu.memory_space<semaphore_mem>>) src(%arg11 : memref<125x16xf32, #tpu.memory_space<vmem>>) dst(%dma_wait3A_134 : memref<10000x16xf32, #tpu.memory_space<vmem_shared>>)
        tpu.yield
      }) : () -> ()
      %add3A_68 = arith.constant 4 : i32
      %add3A_69 = arith.addi %add3A_62, %add3A_68 : i32
      %lt3A = arith.constant 80 : i32
      %lt3A_70 = arith.cmpi slt, %add3A_69, %lt3A : i32
      %convert_element_type3A = arith.extui %lt3A_70 : i1 to i32
      %cond3A = arith.constant 0 : i32
      %cond3A_71 = arith.cmpi ne, %convert_element_type3A, %cond3A : i32
      scf.if %cond3A_71 {
        %add3A_123 = arith.constant 4 : i32
        %add3A_124 = arith.addi %add3A_62, %add3A_123 : i32
        %dma_start3A_125 = arith.constant 0 : i32
        %dma_start3A_126 = tpu.memref_slice %arg9[%add3A_124, %dma_start3A_125] : memref<80x125xi32, #tpu.memory_space<vmem>> -> memref<1x125xi32, #tpu.memory_space<vmem>>
        %dma_start3A_127 = tpu.memref_squeeze %dma_start3A_126 : memref<1x125xi32, #tpu.memory_space<vmem>> -> memref<125xi32, #tpu.memory_space<vmem>>
        %dma_start3A_128 = arith.constant 0 : i32
        %dma_start3A_129 = arith.constant 0 : i32
        %dma_start3A_130 = tpu.memref_slice %arg8[%dma_start3A_128, %dma_start3A_129] : memref<20000x16xf32, #tpu.memory_space<hbm>> -> memref<20000x16xf32, #tpu.memory_space<hbm>>
        tpu.enqueue_indirect_dma source(%dma_start3A_130 : memref<20000x16xf32, #tpu.memory_space<hbm>>) target(%arg11 : memref<125x16xf32, #tpu.memory_space<vmem>>) offsets(%dma_start3A_127 : memref<125xi32, #tpu.memory_space<vmem>>) semaphore(%arg21 : memref<!tpu.dma_semaphore, #tpu.memory_space<semaphore_mem>>)
      } else {
      }
      %mul3A_72 = arith.constant 4 : i32
      %mul3A_73 = arith.muli %mul3A_72, %scan3A_58 : i32
      %add3A_74 = arith.constant 1 : i32
      %add3A_75 = arith.addi %mul3A_73, %add3A_74 : i32
      %dma_wait3A_76 = arith.constant 0 : i32
      %dma_wait3A_77 = arith.constant 0 : i32
      %dma_wait3A_78 = tpu.memref_slice %arg8[%dma_wait3A_76, %dma_wait3A_77] : memref<20000x16xf32, #tpu.memory_space<hbm>> -> memref<125x16xf32, #tpu.memory_space<hbm>>
      %dma_wait3A_79 = arith.constant 0 : i32
      %dma_wait3A_80 = arith.constant 0 : i32
      %dma_wait3A_81 = tpu.memref_slice %arg8[%dma_wait3A_79, %dma_wait3A_80] : memref<20000x16xf32, #tpu.memory_space<hbm>> -> memref<125x16xf32, #tpu.memory_space<hbm>>
      tpu.wait_dma2 semaphore(%arg22 : memref<!tpu.dma_semaphore, #tpu.memory_space<semaphore_mem>>) src(%dma_wait3A_81 : memref<125x16xf32, #tpu.memory_space<hbm>>) dst(%arg12 : memref<125x16xf32, #tpu.memory_space<vmem>>)
      "tpu.region"() ({
        %run_scoped3A = tpu.sem_alloc : memref<!tpu.dma_semaphore, #tpu.memory_space<semaphore_mem>>
        %dma_start3A_123 = arith.constant 0 : i32
        %dma_start3A_124 = tpu.memref_slice %arg10[%add3A_75, %dma_start3A_123] : memref<80x125xi32, #tpu.memory_space<vmem>> -> memref<1x125xi32, #tpu.memory_space<vmem>>
        %dma_start3A_125 = tpu.memref_squeeze %dma_start3A_124 : memref<1x125xi32, #tpu.memory_space<vmem>> -> memref<125xi32, #tpu.memory_space<vmem>>
        %dma_start3A_126 = arith.constant 0 : i32
        %dma_start3A_127 = arith.constant 0 : i32
        %dma_start3A_128 = tpu.memref_slice %arg20[%dma_start3A_126, %dma_start3A_127] : memref<10000x16xf32, #tpu.memory_space<vmem_shared>> -> memref<10000x16xf32, #tpu.memory_space<vmem_shared>>
        tpu.enqueue_indirect_dma source(%arg12 : memref<125x16xf32, #tpu.memory_space<vmem>>) target(%dma_start3A_128 : memref<10000x16xf32, #tpu.memory_space<vmem_shared>>) offsets(%dma_start3A_125 : memref<125xi32, #tpu.memory_space<vmem>>) semaphore(%run_scoped3A : memref<!tpu.dma_semaphore, #tpu.memory_space<semaphore_mem>>) {add = true}
        %dma_wait3A_129 = arith.constant 0 : i32
        %dma_wait3A_130 = tpu.memref_slice %arg10[%add3A_75, %dma_wait3A_129] : memref<80x125xi32, #tpu.memory_space<vmem>> -> memref<1x125xi32, #tpu.memory_space<vmem>>
        %dma_wait3A_131 = tpu.memref_squeeze %dma_wait3A_130 : memref<1x125xi32, #tpu.memory_space<vmem>> -> memref<125xi32, #tpu.memory_space<vmem>>
        %dma_wait3A_132 = arith.constant 0 : i32
        %dma_wait3A_133 = arith.constant 0 : i32
        %dma_wait3A_134 = tpu.memref_slice %arg20[%dma_wait3A_132, %dma_wait3A_133] : memref<10000x16xf32, #tpu.memory_space<vmem_shared>> -> memref<10000x16xf32, #tpu.memory_space<vmem_shared>>
        tpu.wait_indirect_dma semaphore(%run_scoped3A : memref<!tpu.dma_semaphore, #tpu.memory_space<semaphore_mem>>) src(%arg12 : memref<125x16xf32, #tpu.memory_space<vmem>>) dst(%dma_wait3A_134 : memref<10000x16xf32, #tpu.memory_space<vmem_shared>>)
        tpu.yield
      }) : () -> ()
      %add3A_82 = arith.constant 4 : i32
      %add3A_83 = arith.addi %add3A_75, %add3A_82 : i32
      %lt3A_84 = arith.constant 80 : i32
      %lt3A_85 = arith.cmpi slt, %add3A_83, %lt3A_84 : i32
      %convert_element_type3A_86 = arith.extui %lt3A_85 : i1 to i32
      %cond3A_87 = arith.constant 0 : i32
      %cond3A_88 = arith.cmpi ne, %convert_element_type3A_86, %cond3A_87 : i32
      scf.if %cond3A_88 {
        %add3A_123 = arith.constant 4 : i32
        %add3A_124 = arith.addi %add3A_75, %add3A_123 : i32
        %dma_start3A_125 = arith.constant 0 : i32
        %dma_start3A_126 = tpu.memref_slice %arg9[%add3A_124, %dma_start3A_125] : memref<80x125xi32, #tpu.memory_space<vmem>> -> memref<1x125xi32, #tpu.memory_space<vmem>>
        %dma_start3A_127 = tpu.memref_squeeze %dma_start3A_126 : memref<1x125xi32, #tpu.memory_space<vmem>> -> memref<125xi32, #tpu.memory_space<vmem>>
        %dma_start3A_128 = arith.constant 0 : i32
        %dma_start3A_129 = arith.constant 0 : i32
        %dma_start3A_130 = tpu.memref_slice %arg8[%dma_start3A_128, %dma_start3A_129] : memref<20000x16xf32, #tpu.memory_space<hbm>> -> memref<20000x16xf32, #tpu.memory_space<hbm>>
        tpu.enqueue_indirect_dma source(%dma_start3A_130 : memref<20000x16xf32, #tpu.memory_space<hbm>>) target(%arg12 : memref<125x16xf32, #tpu.memory_space<vmem>>) offsets(%dma_start3A_127 : memref<125xi32, #tpu.memory_space<vmem>>) semaphore(%arg22 : memref<!tpu.dma_semaphore, #tpu.memory_space<semaphore_mem>>)
      } else {
      }
      %mul3A_89 = arith.constant 4 : i32
      %mul3A_90 = arith.muli %mul3A_89, %scan3A_58 : i32
      %add3A_91 = arith.constant 2 : i32
      %add3A_92 = arith.addi %mul3A_90, %add3A_91 : i32
      %dma_wait3A_93 = arith.constant 0 : i32
      %dma_wait3A_94 = arith.constant 0 : i32
      %dma_wait3A_95 = tpu.memref_slice %arg8[%dma_wait3A_93, %dma_wait3A_94] : memref<20000x16xf32, #tpu.memory_space<hbm>> -> memref<125x16xf32, #tpu.memory_space<hbm>>
      %dma_wait3A_96 = arith.constant 0 : i32
      %dma_wait3A_97 = arith.constant 0 : i32
      %dma_wait3A_98 = tpu.memref_slice %arg8[%dma_wait3A_96, %dma_wait3A_97] : memref<20000x16xf32, #tpu.memory_space<hbm>> -> memref<125x16xf32, #tpu.memory_space<hbm>>
      tpu.wait_dma2 semaphore(%arg23 : memref<!tpu.dma_semaphore, #tpu.memory_space<semaphore_mem>>) src(%dma_wait3A_98 : memref<125x16xf32, #tpu.memory_space<hbm>>) dst(%arg13 : memref<125x16xf32, #tpu.memory_space<vmem>>)
      "tpu.region"() ({
        %run_scoped3A = tpu.sem_alloc : memref<!tpu.dma_semaphore, #tpu.memory_space<semaphore_mem>>
        %dma_start3A_123 = arith.constant 0 : i32
        %dma_start3A_124 = tpu.memref_slice %arg10[%add3A_92, %dma_start3A_123] : memref<80x125xi32, #tpu.memory_space<vmem>> -> memref<1x125xi32, #tpu.memory_space<vmem>>
        %dma_start3A_125 = tpu.memref_squeeze %dma_start3A_124 : memref<1x125xi32, #tpu.memory_space<vmem>> -> memref<125xi32, #tpu.memory_space<vmem>>
        %dma_start3A_126 = arith.constant 0 : i32
        %dma_start3A_127 = arith.constant 0 : i32
        %dma_start3A_128 = tpu.memref_slice %arg20[%dma_start3A_126, %dma_start3A_127] : memref<10000x16xf32, #tpu.memory_space<vmem_shared>> -> memref<10000x16xf32, #tpu.memory_space<vmem_shared>>
        tpu.enqueue_indirect_dma source(%arg13 : memref<125x16xf32, #tpu.memory_space<vmem>>) target(%dma_start3A_128 : memref<10000x16xf32, #tpu.memory_space<vmem_shared>>) offsets(%dma_start3A_125 : memref<125xi32, #tpu.memory_space<vmem>>) semaphore(%run_scoped3A : memref<!tpu.dma_semaphore, #tpu.memory_space<semaphore_mem>>) {add = true}
        %dma_wait3A_129 = arith.constant 0 : i32
        %dma_wait3A_130 = tpu.memref_slice %arg10[%add3A_92, %dma_wait3A_129] : memref<80x125xi32, #tpu.memory_space<vmem>> -> memref<1x125xi32, #tpu.memory_space<vmem>>
        %dma_wait3A_131 = tpu.memref_squeeze %dma_wait3A_130 : memref<1x125xi32, #tpu.memory_space<vmem>> -> memref<125xi32, #tpu.memory_space<vmem>>
        %dma_wait3A_132 = arith.constant 0 : i32
        %dma_wait3A_133 = arith.constant 0 : i32
        %dma_wait3A_134 = tpu.memref_slice %arg20[%dma_wait3A_132, %dma_wait3A_133] : memref<10000x16xf32, #tpu.memory_space<vmem_shared>> -> memref<10000x16xf32, #tpu.memory_space<vmem_shared>>
        tpu.wait_indirect_dma semaphore(%run_scoped3A : memref<!tpu.dma_semaphore, #tpu.memory_space<semaphore_mem>>) src(%arg13 : memref<125x16xf32, #tpu.memory_space<vmem>>) dst(%dma_wait3A_134 : memref<10000x16xf32, #tpu.memory_space<vmem_shared>>)
        tpu.yield
      }) : () -> ()
      %add3A_99 = arith.constant 4 : i32
      %add3A_100 = arith.addi %add3A_92, %add3A_99 : i32
      %lt3A_101 = arith.constant 80 : i32
      %lt3A_102 = arith.cmpi slt, %add3A_100, %lt3A_101 : i32
      %convert_element_type3A_103 = arith.extui %lt3A_102 : i1 to i32
      %cond3A_104 = arith.constant 0 : i32
      %cond3A_105 = arith.cmpi ne, %convert_element_type3A_103, %cond3A_104 : i32
      scf.if %cond3A_105 {
        %add3A_123 = arith.constant 4 : i32
        %add3A_124 = arith.addi %add3A_92, %add3A_123 : i32
        %dma_start3A_125 = arith.constant 0 : i32
        %dma_start3A_126 = tpu.memref_slice %arg9[%add3A_124, %dma_start3A_125] : memref<80x125xi32, #tpu.memory_space<vmem>> -> memref<1x125xi32, #tpu.memory_space<vmem>>
        %dma_start3A_127 = tpu.memref_squeeze %dma_start3A_126 : memref<1x125xi32, #tpu.memory_space<vmem>> -> memref<125xi32, #tpu.memory_space<vmem>>
        %dma_start3A_128 = arith.constant 0 : i32
        %dma_start3A_129 = arith.constant 0 : i32
        %dma_start3A_130 = tpu.memref_slice %arg8[%dma_start3A_128, %dma_start3A_129] : memref<20000x16xf32, #tpu.memory_space<hbm>> -> memref<20000x16xf32, #tpu.memory_space<hbm>>
        tpu.enqueue_indirect_dma source(%dma_start3A_130 : memref<20000x16xf32, #tpu.memory_space<hbm>>) target(%arg13 : memref<125x16xf32, #tpu.memory_space<vmem>>) offsets(%dma_start3A_127 : memref<125xi32, #tpu.memory_space<vmem>>) semaphore(%arg23 : memref<!tpu.dma_semaphore, #tpu.memory_space<semaphore_mem>>)
      } else {
      }
      %mul3A_106 = arith.constant 4 : i32
      %mul3A_107 = arith.muli %mul3A_106, %scan3A_58 : i32
      %add3A_108 = arith.constant 3 : i32
      %add3A_109 = arith.addi %mul3A_107, %add3A_108 : i32
      %dma_wait3A_110 = arith.constant 0 : i32
      %dma_wait3A_111 = arith.constant 0 : i32
      %dma_wait3A_112 = tpu.memref_slice %arg8[%dma_wait3A_110, %dma_wait3A_111] : memref<20000x16xf32, #tpu.memory_space<hbm>> -> memref<125x16xf32, #tpu.memory_space<hbm>>
      %dma_wait3A_113 = arith.constant 0 : i32
      %dma_wait3A_114 = arith.constant 0 : i32
      %dma_wait3A_115 = tpu.memref_slice %arg8[%dma_wait3A_113, %dma_wait3A_114] : memref<20000x16xf32, #tpu.memory_space<hbm>> -> memref<125x16xf32, #tpu.memory_space<hbm>>
      tpu.wait_dma2 semaphore(%arg24 : memref<!tpu.dma_semaphore, #tpu.memory_space<semaphore_mem>>) src(%dma_wait3A_115 : memref<125x16xf32, #tpu.memory_space<hbm>>) dst(%arg14 : memref<125x16xf32, #tpu.memory_space<vmem>>)
      "tpu.region"() ({
        %run_scoped3A = tpu.sem_alloc : memref<!tpu.dma_semaphore, #tpu.memory_space<semaphore_mem>>
        %dma_start3A_123 = arith.constant 0 : i32
        %dma_start3A_124 = tpu.memref_slice %arg10[%add3A_109, %dma_start3A_123] : memref<80x125xi32, #tpu.memory_space<vmem>> -> memref<1x125xi32, #tpu.memory_space<vmem>>
        %dma_start3A_125 = tpu.memref_squeeze %dma_start3A_124 : memref<1x125xi32, #tpu.memory_space<vmem>> -> memref<125xi32, #tpu.memory_space<vmem>>
        %dma_start3A_126 = arith.constant 0 : i32
        %dma_start3A_127 = arith.constant 0 : i32
        %dma_start3A_128 = tpu.memref_slice %arg20[%dma_start3A_126, %dma_start3A_127] : memref<10000x16xf32, #tpu.memory_space<vmem_shared>> -> memref<10000x16xf32, #tpu.memory_space<vmem_shared>>
        tpu.enqueue_indirect_dma source(%arg14 : memref<125x16xf32, #tpu.memory_space<vmem>>) target(%dma_start3A_128 : memref<10000x16xf32, #tpu.memory_space<vmem_shared>>) offsets(%dma_start3A_125 : memref<125xi32, #tpu.memory_space<vmem>>) semaphore(%run_scoped3A : memref<!tpu.dma_semaphore, #tpu.memory_space<semaphore_mem>>) {add = true}
        %dma_wait3A_129 = arith.constant 0 : i32
        %dma_wait3A_130 = tpu.memref_slice %arg10[%add3A_109, %dma_wait3A_129] : memref<80x125xi32, #tpu.memory_space<vmem>> -> memref<1x125xi32, #tpu.memory_space<vmem>>
        %dma_wait3A_131 = tpu.memref_squeeze %dma_wait3A_130 : memref<1x125xi32, #tpu.memory_space<vmem>> -> memref<125xi32, #tpu.memory_space<vmem>>
        %dma_wait3A_132 = arith.constant 0 : i32
        %dma_wait3A_133 = arith.constant 0 : i32
        %dma_wait3A_134 = tpu.memref_slice %arg20[%dma_wait3A_132, %dma_wait3A_133] : memref<10000x16xf32, #tpu.memory_space<vmem_shared>> -> memref<10000x16xf32, #tpu.memory_space<vmem_shared>>
        tpu.wait_indirect_dma semaphore(%run_scoped3A : memref<!tpu.dma_semaphore, #tpu.memory_space<semaphore_mem>>) src(%arg14 : memref<125x16xf32, #tpu.memory_space<vmem>>) dst(%dma_wait3A_134 : memref<10000x16xf32, #tpu.memory_space<vmem_shared>>)
        tpu.yield
      }) : () -> ()
      %add3A_116 = arith.constant 4 : i32
      %add3A_117 = arith.addi %add3A_109, %add3A_116 : i32
      %lt3A_118 = arith.constant 80 : i32
      %lt3A_119 = arith.cmpi slt, %add3A_117, %lt3A_118 : i32
      %convert_element_type3A_120 = arith.extui %lt3A_119 : i1 to i32
      %cond3A_121 = arith.constant 0 : i32
      %cond3A_122 = arith.cmpi ne, %convert_element_type3A_120, %cond3A_121 : i32
      scf.if %cond3A_122 {
        %add3A_123 = arith.constant 4 : i32
        %add3A_124 = arith.addi %add3A_109, %add3A_123 : i32
        %dma_start3A_125 = arith.constant 0 : i32
        %dma_start3A_126 = tpu.memref_slice %arg9[%add3A_124, %dma_start3A_125] : memref<80x125xi32, #tpu.memory_space<vmem>> -> memref<1x125xi32, #tpu.memory_space<vmem>>
        %dma_start3A_127 = tpu.memref_squeeze %dma_start3A_126 : memref<1x125xi32, #tpu.memory_space<vmem>> -> memref<125xi32, #tpu.memory_space<vmem>>
        %dma_start3A_128 = arith.constant 0 : i32
        %dma_start3A_129 = arith.constant 0 : i32
        %dma_start3A_130 = tpu.memref_slice %arg8[%dma_start3A_128, %dma_start3A_129] : memref<20000x16xf32, #tpu.memory_space<hbm>> -> memref<20000x16xf32, #tpu.memory_space<hbm>>
        tpu.enqueue_indirect_dma source(%dma_start3A_130 : memref<20000x16xf32, #tpu.memory_space<hbm>>) target(%arg14 : memref<125x16xf32, #tpu.memory_space<vmem>>) offsets(%dma_start3A_127 : memref<125xi32, #tpu.memory_space<vmem>>) semaphore(%arg24 : memref<!tpu.dma_semaphore, #tpu.memory_space<semaphore_mem>>)
      } else {
      }
    }
    %scan3A_53 = arith.constant 20 : i32
    %barrier3A_54 = arith.constant 0 : index
    tpu.barrier barrier_id(%barrier3A_54)
    "tpu.region"() ({
      %run_scoped3A = tpu.sem_alloc : memref<!tpu.dma_semaphore, #tpu.memory_space<semaphore_mem>>
      %dma_start3A_58 = arith.constant 0 : i32
      %dma_start3A_59 = tpu.memref_slice %arg20[%mul3A_2, %dma_start3A_58] : memref<10000x16xf32, #tpu.memory_space<vmem_shared>> -> memref<625x16xf32, #tpu.memory_space<vmem_shared>>
      %dma_start3A_60 = arith.constant 0 : i32
      %dma_start3A_61 = tpu.memref_slice %arg20[%mul3A_2, %dma_start3A_60] : memref<10000x16xf32, #tpu.memory_space<vmem_shared>> -> memref<625x16xf32, #tpu.memory_space<vmem_shared>>
      tpu.enqueue_dma source(%dma_start3A_61 : memref<625x16xf32, #tpu.memory_space<vmem_shared>>) target(%arg15 : memref<625x16xf32, #tpu.memory_space<vmem>>) target_semaphore(%run_scoped3A : memref<!tpu.dma_semaphore, #tpu.memory_space<semaphore_mem>>)
      %dma_wait3A = arith.constant 0 : i32
      %dma_wait3A_62 = tpu.memref_slice %arg20[%mul3A_2, %dma_wait3A] : memref<10000x16xf32, #tpu.memory_space<vmem_shared>> -> memref<625x16xf32, #tpu.memory_space<vmem_shared>>
      %dma_wait3A_63 = arith.constant 0 : i32
      %dma_wait3A_64 = tpu.memref_slice %arg20[%mul3A_2, %dma_wait3A_63] : memref<10000x16xf32, #tpu.memory_space<vmem_shared>> -> memref<625x16xf32, #tpu.memory_space<vmem_shared>>
      tpu.wait_dma2 semaphore(%run_scoped3A : memref<!tpu.dma_semaphore, #tpu.memory_space<semaphore_mem>>) src(%dma_wait3A_64 : memref<625x16xf32, #tpu.memory_space<vmem_shared>>) dst(%arg15 : memref<625x16xf32, #tpu.memory_space<vmem>>)
      tpu.yield
    }) : () -> ()
    %mul3A_55 = arith.constant 10000 : i32
    %mul3A_56 = arith.muli %arg0, %mul3A_55 : i32
    %add3A_57 = arith.addi %mul3A_56, %mul3A_2 : i32
    "tpu.region"() ({
      %run_scoped3A = tpu.sem_alloc : memref<!tpu.dma_semaphore, #tpu.memory_space<semaphore_mem>>
      %dma_start3A_58 = arith.constant 0 : i32
      %dma_start3A_59 = tpu.memref_slice %arg7[%add3A_57, %dma_start3A_58] : memref<20000x16xf32, #tpu.memory_space<hbm>> -> memref<625x16xf32, #tpu.memory_space<hbm>>
      %dma_start3A_60 = arith.constant 0 : i32
      %dma_start3A_61 = tpu.memref_slice %arg7[%add3A_57, %dma_start3A_60] : memref<20000x16xf32, #tpu.memory_space<hbm>> -> memref<625x16xf32, #tpu.memory_space<hbm>>
      tpu.enqueue_dma source(%arg15 : memref<625x16xf32, #tpu.memory_space<vmem>>) target(%dma_start3A_61 : memref<625x16xf32, #tpu.memory_space<hbm>>) target_semaphore(%run_scoped3A : memref<!tpu.dma_semaphore, #tpu.memory_space<semaphore_mem>>)
      %dma_wait3A = arith.constant 0 : i32
      %dma_wait3A_62 = tpu.memref_slice %arg7[%add3A_57, %dma_wait3A] : memref<20000x16xf32, #tpu.memory_space<hbm>> -> memref<625x16xf32, #tpu.memory_space<hbm>>
      %dma_wait3A_63 = arith.constant 0 : i32
      %dma_wait3A_64 = tpu.memref_slice %arg7[%add3A_57, %dma_wait3A_63] : memref<20000x16xf32, #tpu.memory_space<hbm>> -> memref<625x16xf32, #tpu.memory_space<hbm>>
      tpu.wait_dma2 semaphore(%run_scoped3A : memref<!tpu.dma_semaphore, #tpu.memory_space<semaphore_mem>>) src(%arg15 : memref<625x16xf32, #tpu.memory_space<vmem>>) dst(%dma_wait3A_64 : memref<625x16xf32, #tpu.memory_space<hbm>>)
      tpu.yield
    }) : () -> ()
    return
  }
}

module attributes {stable_mosaic.version = 14 : i64} {
  func.func @_tc1_body(%arg0: i32, %arg1: memref<1000x128xf32, #tpu.memory_space<vmem>>, %arg2: memref<16x128xf32, #tpu.memory_space<vmem>>, %arg3: memref<16x128xf32, #tpu.memory_space<vmem>>, %arg4: memref<1000x32xf32, #tpu.memory_space<vmem>>, %arg5: memref<1000x16xf32, #tpu.memory_space<vmem>>) attributes {dimension_semantics = [#tpu.dimension_semantics<arbitrary>], iteration_bounds = array<i64: 10>, scalar_prefetch = 0 : i64, scratch_operands = 0 : i64, tpu.core_type = #tpu.core_type<tc>, window_params = [{transform_indices = @transform_0, window_bounds = array<i64: 1000, 128>}, {pipeline_mode = #tpu.pipeline_mode<synchronous>, transform_indices = @transform_1, window_bounds = array<i64: 16, 128>}, {pipeline_mode = #tpu.pipeline_mode<synchronous>, transform_indices = @transform_2, window_bounds = array<i64: 16, 128>}, {transform_indices = @transform_3, window_bounds = array<i64: 1000, 32>}, {transform_indices = @transform_4, window_bounds = array<i64: 1000, 16>}]} {
    %get3A = arith.constant 0 : index
    %get3A_0 = arith.constant 0 : index
    %get3A_1 = vector.load %arg1[%get3A, %get3A_0] : memref<1000x128xf32, #tpu.memory_space<vmem>>, vector<1000x128xf32>
    %get3A_2 = arith.constant 0 : index
    %get3A_3 = arith.constant 0 : index
    %get3A_4 = vector.load %arg2[%get3A_2, %get3A_3] : memref<16x128xf32, #tpu.memory_space<vmem>>, vector<16x128xf32>
    %dot_general3A = arith.constant dense<0.000000e+00> : vector<1000x16xf32>
    %dot_general3A_5 = tpu.matmul %get3A_1, %get3A_4, %dot_general3A {dimension_numbers = #tpu.dot_dimension_numbers<[1], [1], [0], [0], [0, 0, 1, 0], [], []>, transpose_lhs_hint = false} : vector<1000x128xf32>, vector<16x128xf32>, vector<1000x16xf32> -> vector<1000x16xf32>
    %get3A_6 = arith.constant 0 : index
    %get3A_7 = arith.constant 0 : index
    %get3A_8 = vector.load %arg3[%get3A_6, %get3A_7] : memref<16x128xf32, #tpu.memory_space<vmem>>, vector<16x128xf32>
    %dot_general3A_9 = arith.constant dense<0.000000e+00> : vector<1000x16xf32>
    %dot_general3A_10 = tpu.matmul %get3A_1, %get3A_8, %dot_general3A_9 {dimension_numbers = #tpu.dot_dimension_numbers<[1], [1], [0], [0], [0, 0, 1, 0], [], []>, transpose_lhs_hint = false} : vector<1000x128xf32>, vector<16x128xf32>, vector<1000x16xf32> -> vector<1000x16xf32>
    %broadcast_in_dim3A = arith.constant 1.000000e+00 : f32
    %broadcast_in_dim3A_11 = vector.broadcast %broadcast_in_dim3A : f32 to vector<1000x16xf32>
    %concatenate3A = tpu.concatenate %dot_general3A_5, %broadcast_in_dim3A_11 in 1 : vector<1000x16xf32>, vector<1000x16xf32> -> vector<1000x32xf32>
    %swap3A = arith.constant 0 : index
    %swap3A_12 = arith.constant 0 : index
    %swap3A_13 = vector.load %arg4[%swap3A, %swap3A_12] : memref<1000x32xf32, #tpu.memory_space<vmem>>, vector<1000x32xf32>
    tpu.vector_store %arg4[%swap3A, %swap3A_12], %concatenate3A {strides = array<i32>} : memref<1000x32xf32, #tpu.memory_space<vmem>>, vector<1000x32xf32>,
    %swap3A_14 = arith.constant 0 : index
    %swap3A_15 = arith.constant 0 : index
    %swap3A_16 = vector.load %arg5[%swap3A_14, %swap3A_15] : memref<1000x16xf32, #tpu.memory_space<vmem>>, vector<1000x16xf32>
    tpu.vector_store %arg5[%swap3A_14, %swap3A_15], %dot_general3A_10 {strides = array<i32>} : memref<1000x16xf32, #tpu.memory_space<vmem>>, vector<1000x16xf32>,
    return
  }
  func.func @transform_0(%arg0: i32) -> (i32, i32) {
    %c0_i32 = arith.constant 0 : i32
    %c0_i32_0 = arith.constant 0 : i32
    return %arg0, %c0_i32 : i32, i32
  }
  func.func @transform_1(%arg0: i32) -> (i32, i32) {
    %c0_i32 = arith.constant 0 : i32
    %c0_i32_0 = arith.constant 0 : i32
    %c0_i32_1 = arith.constant 0 : i32
    return %c0_i32, %c0_i32_0 : i32, i32
  }
  func.func @transform_2(%arg0: i32) -> (i32, i32) {
    %c0_i32 = arith.constant 0 : i32
    %c0_i32_0 = arith.constant 0 : i32
    %c0_i32_1 = arith.constant 0 : i32
    return %c0_i32, %c0_i32_0 : i32, i32
  }
  func.func @transform_3(%arg0: i32) -> (i32, i32) {
    %c0_i32 = arith.constant 0 : i32
    %c0_i32_0 = arith.constant 0 : i32
    return %arg0, %c0_i32 : i32, i32
  }
  func.func @transform_4(%arg0: i32) -> (i32, i32) {
    %c0_i32 = arith.constant 0 : i32
    %c0_i32_0 = arith.constant 0 : i32
    return %arg0, %c0_i32 : i32, i32
  }
}

module attributes {stable_mosaic.version = 14 : i64} {
  func.func @_tc3_body(%arg0: i32, %arg1: memref<2x1000x32xf32, #tpu.memory_space<vmem>>, %arg2: memref<2x1000x16xf32, #tpu.memory_space<vmem>>, %arg3: memref<1000x16xf32, #tpu.memory_space<vmem>>, %arg4: memref<128x16xf32, #tpu.memory_space<vmem>>, %arg5: memref<128x16xf32, #tpu.memory_space<vmem>>, %arg6: memref<1x128xf32, #tpu.memory_space<vmem>>, %arg7: memref<1000x128xf32, #tpu.memory_space<vmem>>) attributes {dimension_semantics = [#tpu.dimension_semantics<arbitrary>], iteration_bounds = array<i64: 10>, scalar_prefetch = 0 : i64, scratch_operands = 0 : i64, tpu.core_type = #tpu.core_type<tc>, window_params = [{transform_indices = @transform_0, window_bounds = array<i64: 2, 1000, 32>}, {transform_indices = @transform_1, window_bounds = array<i64: 2, 1000, 16>}, {transform_indices = @transform_2, window_bounds = array<i64: 1000, 16>}, {pipeline_mode = #tpu.pipeline_mode<synchronous>, transform_indices = @transform_3, window_bounds = array<i64: 128, 16>}, {pipeline_mode = #tpu.pipeline_mode<synchronous>, transform_indices = @transform_4, window_bounds = array<i64: 128, 16>}, {pipeline_mode = #tpu.pipeline_mode<synchronous>, transform_indices = @transform_5, window_bounds = array<i64: 1, 128>}, {transform_indices = @transform_6, window_bounds = array<i64: 1000, 128>}]} {
    %get3A = arith.constant 0 : index
    %get3A_0 = arith.constant 0 : index
    %get3A_1 = arith.constant 16 : index
    %get3A_2 = vector.load %arg1[%get3A, %get3A_0, %get3A_1] : memref<2x1000x32xf32, #tpu.memory_space<vmem>>, vector<1x1000x16xf32>
    %get3A_3 = vector.shape_cast %get3A_2 : vector<1x1000x16xf32> to vector<1000x16xf32>
    %get3A_4 = arith.constant 1 : index
    %get3A_5 = arith.constant 0 : index
    %get3A_6 = arith.constant 16 : index
    %get3A_7 = vector.load %arg1[%get3A_4, %get3A_5, %get3A_6] : memref<2x1000x32xf32, #tpu.memory_space<vmem>>, vector<1x1000x16xf32>
    %get3A_8 = vector.shape_cast %get3A_7 : vector<1x1000x16xf32> to vector<1000x16xf32>
    %add3A = arith.addf %get3A_3, %get3A_8 : vector<1000x16xf32>
    %max3A = arith.constant 1.000000e+00 : f32
    %max3A_9 = vector.broadcast %max3A : f32 to vector<1000x16xf32>
    %max3A_10 = arith.maximumf %add3A, %max3A_9 : vector<1000x16xf32>
    %div3A = arith.constant 1.000000e+00 : f32
    %div3A_11 = vector.broadcast %div3A : f32 to vector<1000x16xf32>
    %div3A_12 = arith.divf %div3A_11, %max3A_10 : vector<1000x16xf32>
    %get3A_13 = arith.constant 0 : index
    %get3A_14 = arith.constant 0 : index
    %get3A_15 = arith.constant 0 : index
    %get3A_16 = vector.load %arg2[%get3A_13, %get3A_14, %get3A_15] : memref<2x1000x16xf32, #tpu.memory_space<vmem>>, vector<2x1000x16xf32>
    %slice3A = vector.extract_strided_slice %get3A_16 {offsets = [0, 0, 0], sizes = [1, 1000, 16], strides = [1, 1, 1]} : vector<2x1000x16xf32> to vector<1x1000x16xf32>
    %squeeze3A = vector.shape_cast %slice3A : vector<1x1000x16xf32> to vector<1000x16xf32>
    %slice3A_17 = vector.extract_strided_slice %get3A_16 {offsets = [1, 0, 0], sizes = [1, 1000, 16], strides = [1, 1, 1]} : vector<2x1000x16xf32> to vector<1x1000x16xf32>
    %squeeze3A_18 = vector.shape_cast %slice3A_17 : vector<1x1000x16xf32> to vector<1000x16xf32>
    %add3A_19 = arith.addf %squeeze3A, %squeeze3A_18 : vector<1000x16xf32>
    %mul3A = arith.mulf %add3A_19, %div3A_12 : vector<1000x16xf32>
    %get3A_20 = arith.constant 0 : index
    %get3A_21 = arith.constant 0 : index
    %get3A_22 = vector.load %arg3[%get3A_20, %get3A_21] : memref<1000x16xf32, #tpu.memory_space<vmem>>, vector<1000x16xf32>
    %get3A_23 = arith.constant 0 : index
    %get3A_24 = arith.constant 0 : index
    %get3A_25 = vector.load %arg4[%get3A_23, %get3A_24] : memref<128x16xf32, #tpu.memory_space<vmem>>, vector<128x16xf32>
    %dot_general3A = arith.constant dense<0.000000e+00> : vector<1000x128xf32>
    %dot_general3A_26 = tpu.matmul %mul3A, %get3A_25, %dot_general3A {dimension_numbers = #tpu.dot_dimension_numbers<[1], [1], [0], [0], [0, 0, 1, 0], [], []>, transpose_lhs_hint = false} : vector<1000x16xf32>, vector<128x16xf32>, vector<1000x128xf32> -> vector<1000x128xf32>
    %get3A_27 = arith.constant 0 : index
    %get3A_28 = arith.constant 0 : index
    %get3A_29 = vector.load %arg5[%get3A_27, %get3A_28] : memref<128x16xf32, #tpu.memory_space<vmem>>, vector<128x16xf32>
    %dot_general3A_30 = arith.constant dense<0.000000e+00> : vector<1000x128xf32>
    %dot_general3A_31 = tpu.matmul %get3A_22, %get3A_29, %dot_general3A_30 {dimension_numbers = #tpu.dot_dimension_numbers<[1], [1], [0], [0], [0, 0, 1, 0], [], []>, transpose_lhs_hint = false} : vector<1000x16xf32>, vector<128x16xf32>, vector<1000x128xf32> -> vector<1000x128xf32>
    %add3A_32 = arith.addf %dot_general3A_26, %dot_general3A_31 : vector<1000x128xf32>
    %get3A_33 = arith.constant 0 : index
    %get3A_34 = arith.constant 0 : index
    %get3A_35 = vector.load %arg6[%get3A_33, %get3A_34] : memref<1x128xf32, #tpu.memory_space<vmem>>, vector<1x128xf32>
    %add3A_36 = vector.broadcast %get3A_35 : vector<1x128xf32> to vector<1000x128xf32>
    %add3A_37 = arith.addf %add3A_32, %add3A_36 : vector<1000x128xf32>
    %swap3A = arith.constant 0 : index
    %swap3A_38 = arith.constant 0 : index
    %swap3A_39 = vector.load %arg7[%swap3A, %swap3A_38] : memref<1000x128xf32, #tpu.memory_space<vmem>>, vector<1000x128xf32>
    tpu.vector_store %arg7[%swap3A, %swap3A_38], %add3A_37 {strides = array<i32>} : memref<1000x128xf32, #tpu.memory_space<vmem>>, vector<1000x128xf32>,
    return
  }
  func.func @transform_0(%arg0: i32) -> (i32, i32, i32) {
    %c0_i32 = arith.constant 0 : i32
    %c0_i32_0 = arith.constant 0 : i32
    %c0_i32_1 = arith.constant 0 : i32
    return %c0_i32, %arg0, %c0_i32_0 : i32, i32, i32
  }
  func.func @transform_1(%arg0: i32) -> (i32, i32, i32) {
    %c0_i32 = arith.constant 0 : i32
    %c0_i32_0 = arith.constant 0 : i32
    %c0_i32_1 = arith.constant 0 : i32
    return %c0_i32, %arg0, %c0_i32_0 : i32, i32, i32
  }
  func.func @transform_2(%arg0: i32) -> (i32, i32) {
    %c0_i32 = arith.constant 0 : i32
    %c0_i32_0 = arith.constant 0 : i32
    return %arg0, %c0_i32 : i32, i32
  }
  func.func @transform_3(%arg0: i32) -> (i32, i32) {
    %c0_i32 = arith.constant 0 : i32
    %c0_i32_0 = arith.constant 0 : i32
    %c0_i32_1 = arith.constant 0 : i32
    return %c0_i32, %c0_i32_0 : i32, i32
  }
  func.func @transform_4(%arg0: i32) -> (i32, i32) {
    %c0_i32 = arith.constant 0 : i32
    %c0_i32_0 = arith.constant 0 : i32
    %c0_i32_1 = arith.constant 0 : i32
    return %c0_i32, %c0_i32_0 : i32, i32
  }
  func.func @transform_5(%arg0: i32) -> (i32, i32) {
    %c0_i32 = arith.constant 0 : i32
    %c0_i32_0 = arith.constant 0 : i32
    %c0_i32_1 = arith.constant 0 : i32
    return %c0_i32, %c0_i32_0 : i32, i32
  }
  func.func @transform_6(%arg0: i32) -> (i32, i32) {
    %c0_i32 = arith.constant 0 : i32
    %c0_i32_0 = arith.constant 0 : i32
    return %arg0, %c0_i32 : i32, i32
  }
}

</mosaic_0001>

<sc_bundles>
// kernel: kernel.6.cloned.1.call-start
scs
__scs_entry_jumppad:
0x0: {  	(pc) =	sbr.rel $0x88, $3  }
0x1: {  	(tag) =	ssettag $0x0;
	lr =	simm.s32 $0x1  }
0x2: {  	[smem:$0x3F99] =	sst lr;
	_ =	strace $0xD0000000  }
0x3: {  	_ = 	snop  }
0x4: {  	_ = 	snop  }
0x5: {  	_ = 	snop  }
0x6: {  	_ = 	snop  }
0x7: {  	_ = 	snop  }
__scs_overlays_trampoline_lowered:
0x8: {  	[smem:$0x3FA8] =	sst s0  }
0x9: {  	[smem:$0x3FA9] =	sst s1  }
0xa: {  	[smem:$0x3FAA] =	sst s2  }
0xb: {  	[smem:$0x3FAB] =	sst s3  }
0xc: {  	[smem:$0x3FAC] =	sst s4  }
0xd: {  	[smem:$0x3FAD] =	sst s5  }
0xe: {  	[smem:$0x3FAE] =	sst s6  }
0xf: {  	[smem:$0x3FAF] =	sst s7  }
0x10: {  	[smem:$0x3FB0] =	sst s8  }
0x11: {  	[smem:$0x3FB1] =	sst s9;
	s0 =	simm.s32 @!p0 $0x0  }
0x12: {  	s1 =	sld [smem:$0x3F97];
	s0 =	simm.s32 @p0 $0x1  }
0x13: {  	[smem:$0x3FB2] =	sst s0;
	s0 =	simm.s32 @!p1 $0x0  }
0x14: {  	s2 =	sld [smem:$0x3F96];
	s0 =	simm.s32 @p1 $0x1  }
0x15: {  	[smem:$0x3FB3] =	sst s0;
	s0 =	simm.s32 @!p2 $0x0  }
0x16: {  	s3 =	sld [smem:$0x3FDB];
	s0 =	simm.s32 @p2 $0x1  }
0x17: {  	s4 =	simm.s32 $0x1BF5;
	[smem:$0x3FB5] =	sst s0  }
0x18: {  	s0 =	sld [smem:$0x3F98];
	_ =	swait.ge [sflag:s4], $0x0  }
0x19: {  	s7 =	sld [smem:$0x3F99]  }
0x1a: {  	s8 =	sadd.s32 $0xFFFFE003, lr  }
0x1b: {  	s9 =	sadd.s32 $0xFFFFFEF7, lr;
	s5 =	simm.s32 $0xFFFFFFFF;
	p2 =	slt.u32 s8, $0xFFFFF086  }
0x1c: {  	p1 =	slt.u32 s9, $0xF7A;
	s5 =	simm.s32 @!p2 $0x0  }
0x1d: {  	s5 =	simm.s32 @p1 $0x1;
	p0 =	seq.s32 s7, s2  }
0x1e: {  	s7 =	smul.u32 @!p0 $0xF7A, s2;
	p2 =	seq.s32 @!p0 s5, $0x0  }
0x1f: {  	s9 =	smul.u32 $0xF7A, s1;
	s8 =	simm.s32 @!p0 $0x1BF5;
	p2 =	por !p2, p0  }
0x20: {  	[sflag:s8] =	ssyncset.s32 @!p0 $0xFFFFF086;
	s6 =	sadd.s32 @!p0 s3, s7;
	s7 =	simm.s32 @!p0 $0x108  }
0x21: {  	s3 =	sadd.s32 s3, s9;
	s6 =	sadd.s32 @!p0 $0x88, s6;
	s7 =	simm.s32 @p2 $0x1082  }
0x22: {  	[simem:s7], [sflag:s8] =	dma.local @!p0 [hbm:s6], $0xF7A  }
0x23: {  	s9 =	sor.u32 $0xD0000000, s2;
	s6 =	simm.s32 $0x108;
	_ =	swait.ge @!p0 [sflag:s8], $0x0  }
0x24: {  	s3 =	sadd.s32 $0x88, s3;
	s6 =	simm.s32 @!p1 $0x1082;
	[sflag:s4] =	ssyncset.s32 $0xFFFFF086  }
0x25: {  	[simem:s6], [sflag:s4] =	dma.local [hbm:s3], $0xF7A  }
0x26: {  	[smem:$0x3F99] =	sst s1;
	(tag) =	ssettag s2;
	_ =	strace s9  }
0x27: {  	s1 =	sld [smem:$0x3FA9]  }
0x28: {  	s2 =	sld [smem:$0x3FAA]  }
0x29: {  	s4 =	sld [smem:$0x3FAC]  }
0x2a: {  	p0 =	seq.s32 s5, $0x0;
	s5 =	sld [smem:$0x3FAD]  }
0x2b: {  	s6 =	sld [smem:$0x3FAE]  }
0x2c: {  	s7 =	sld [smem:$0x3FAF]  }
0x2d: {  	s3 =	simm.s32 $0x108;
	s8 =	sld [smem:$0x3FB0]  }
0x2e: {  	s3 =	simm.s32 @!p0 $0x1082;
	s9 =	sld [smem:$0x3FB1]  }
0x2f: {  	lr =	sadd.s32 s0, s3;
	s0 =	sld [smem:$0x3FA8]  }
0x30: {  	s3 =	sld [smem:$0x3FAB]  }
0x31: {  	[smem:$0x3FB4] =	sst s10  }
0x32: {  	s10 =	sld [smem:$0x3FB2];
	_ =	sdelay $0x3  }
0x33: {  	p0 =	seq.s32 s10, $0x1;
	s10 =	sld [smem:$0x3FB4];
	_ =	sdelay $0x3  }
0x34: {  	[smem:$0x3FB4] =	sst s10  }
0x35: {  	s10 =	sld [smem:$0x3FB3];
	_ =	sdelay $0x3  }
0x36: {  	p1 =	seq.s32 s10, $0x1;
	s10 =	sld [smem:$0x3FB4];
	_ =	sdelay $0x3  }
0x37: {  	[smem:$0x3FB4] =	sst s10  }
0x38: {  	s10 =	sld [smem:$0x3FB5]  }
0x39: {  	_ = 	snop;
	(pc) =	sbr.ind lr, $3  }
0x3a: {  	_ = 	snop  }
0x3b: {  	_ = 	snop  }
0x3c: {  	p2 =	seq.s32 s10, $0x1;
	s10 =	sld [smem:$0x3FB4]  }
0x3d: {  	_ =	shalt  }
0x3e: {  	_ =	shalt  }
0x3f: {  	_ =	shalt  }
0x40: {  	_ =	shalt  }
0x41: {  	_ =	shalt  }
0x42: {  	_ =	shalt  }
0x43: {  	_ =	shalt  }
0x44: {  	_ =	shalt  }
0x45: {  	_ =	shalt  }
0x46: {  	_ =	shalt  }
0x47: {  	_ =	shalt  }
0x48: {  	_ =	shalt  }
0x49: {  	_ =	shalt  }
0x4a: {  	_ =	shalt  }
0x4b: {  	_ =	shalt  }
0x4c: {  	_ =	shalt  }
0x4d: {  	_ =	shalt  }
0x4e: {  	_ =	shalt  }
0x4f: {  	_ =	shalt  }
0x50: {  	_ =	shalt  }
0x51: {  	_ =	shalt  }
0x52: {  	_ =	shalt  }
0x53: {  	_ =	shalt  }
0x54: {  	_ =	shalt  }
0x55: {  	_ =	shalt  }
0x56: {  	_ =	shalt  }
0x57: {  	_ =	shalt  }
0x58: {  	_ =	shalt  }
0x59: {  	_ =	shalt  }
0x5a: {  	_ =	shalt  }
0x5b: {  	_ =	shalt  }
0x5c: {  	_ =	shalt  }
0x5d: {  	_ =	shalt  }
0x5e: {  	_ =	shalt  }
0x5f: {  	_ =	shalt  }
0x60: {  	_ =	shalt  }
0x61: {  	_ =	shalt  }
0x62: {  	_ =	shalt  }
0x63: {  	_ =	shalt  }
0x64: {  	_ =	shalt  }
0x65: {  	_ =	shalt  }
0x66: {  	_ =	shalt  }
0x67: {  	_ =	shalt  }
0x68: {  	_ =	shalt  }
0x69: {  	_ =	shalt  }
0x6a: {  	_ =	shalt  }
0x6b: {  	_ =	shalt  }
0x6c: {  	_ =	shalt  }
0x6d: {  	_ =	shalt  }
0x6e: {  	_ =	shalt  }
0x6f: {  	_ =	shalt  }
0x70: {  	_ =	shalt  }
0x71: {  	_ =	shalt  }
0x72: {  	_ =	shalt  }
0x73: {  	_ =	shalt  }
0x74: {  	_ =	shalt  }
0x75: {  	_ =	shalt  }
0x76: {  	_ =	shalt  }
0x77: {  	_ =	shalt  }
0x78: {  	_ =	shalt  }
0x79: {  	_ =	shalt  }
0x7a: {  	_ =	shalt  }
0x7b: {  	_ =	shalt  }
0x7c: {  	_ =	shalt  }
0x7d: {  	_ =	shalt  }
0x7e: {  	_ =	shalt  }
0x7f: {  	_ =	shalt  }
0x80: {  	_ =	shalt  }
0x81: {  	_ =	shalt  }
0x82: {  	_ =	shalt  }
0x83: {  	_ =	shalt  }
0x84: {  	_ =	shalt  }
0x85: {  	_ =	shalt  }
0x86: {  	_ =	shalt  }
0x87: {  	_ =	shalt  }
.Lfunc_end0:
.L_simem_size_0:
called_computation_lowered:
.L_overlay_start_0:
0x88: {  	s2 =	sld [smem:$0x3FD9]  }
0x89: {  	s3 =	sld [smem:$0x3FFE];
	_ =	sdelay $0x1  }
0x8a: {  	s1 =	srdreg.scid  }
0x8b: {  	s0 =	sand.u32 $0x1, s1  }
0x8c: {  	s17 =	sshll.u32 s0, $0xA;
	s2 =	sadd.s32 s3, s2  }
0x8d: {  	s2 =	sadd.s32 s2, s17  }
0x8e: {  	[smem:$0x3FC0] =	sst s2  }
0x8f: {  	_ = 	snop  }
0x90: {  	s2 =	sld [smem:$0x3FD0];
	(tm) =	ssettm $0x1  }
0x91: {  	s18 =	sld [smem:$0x3FFB];
	_ =	sdelay $0x3  }
0x92: {  	_ =	strace s18  }
0x93: {  	s3 =	sld [smem:$0x3FFC];
	_ =	sdelay $0x3  }
0x94: {  	_ =	strace s3  }
0x95: {  	s3 =	sld [smem:$0x3FFD];
	_ =	sdelay $0x3  }
0x96: {  	_ =	strace s3  }
0x97: {  	_ =	strace $0x8FFFFFFF  }
0x98: {  	s19 =	sld [smem:$0x3FDB];
	_ =	sdelay $0x1  }
0x99: {  	s4 =	simm.s32 $_scs_section_size  }
0x9a: {  	s5 =	simm.s32 $_size__tile_overlayer_lowered;
	s6 =	simm.s32 $_tile_overlayer_lowered  }
0x9b: {  	s22 =	simm.s32 $0x1BFF;
	s21 =	sshll.u32 s6, $0x1;
	s3 =	sadd.s32 s4, s19  }
0x9c: {  	s7 =	simm.s32 $0x0;
	s20 =	sshll.u32 s5, $0x1;
	s5 =	sadd.s32 s21, s3  }
0x9d: {  	[timem:s7], [sflag:s22] =	dma.local [hbm:s5], s20  }
0x9e: {  	_ =	swait.ge [sflag:s22], s20  }
0x9f: {  	s4 =	ssub.s32 $0x0, s20;
	[sflag:s22] =	ssyncset.done $0x0  }
0xa0: {  	[sflag:s22] =	ssyncadd.s32 s4;
	_ =	sdelay $0x1  }
0xa1: {  	s23 =	simm.s32 $0x1B8B  }
0xa2: {  	_ =	swait.ge [sflag:s23], $0x1  }
0xa3: {  	[sflag:s23] =	ssyncset.done $0x0  }
0xa4: {  	s25 =	simm.s32 $0x1B8E;
	s24 =	sld [smem:$0x3FFE];
	[sflag:s23] =	ssyncadd.s32 $0xFFFFFFFF  }
0xa5: {  	s26 =	simm.s32 $execute0_lowered;
	[smem:$0x3FD2] =	sst s25  }
0xa6: {  	s5 =	sshll.u32 s26, $0x1;
	_ =	strace $0x80000046;
	[dreg:$0x1] =	wrdreg $0xFFFFFFFF  }
0xa7: {  	s28 =	simm.s32 $_size_execute0_lowered;
	s3 =	sadd.s32 s3, s5;
	[dreg:$0x0] =	wrdreg $0x0  }
0xa8: {  	s5 =	sshll.u32 s28, $0x1;
	[dreg:$0x2] =	wrdreg s3  }
0xa9: {  	[dreg:$0x3] =	wrdreg s5  }
0xaa: {  	[dreg:$0x4] =	wrdreg $0xC0  }
0xab: {  	_ =	task [dreg:s7], $0x5FFFF  }
0xac: {  	[dreg:$0x1] =	wrdreg $0xFFFFFFFF  }
0xad: {  	[dreg:$0x0] =	wrdreg $0x60  }
0xae: {  	[dreg:$0x2] =	wrdreg s24  }
0xaf: {  	[dreg:$0x3] =	wrdreg s2  }
0xb0: {  	[dreg:$0x4] =	wrdreg $0xDCA00  }
0xb1: {  	[dreg:$0x5] =	wrdreg $0x9  }
0xb2: {  	_ =	task.clear_ibuf [dreg:s7], $0x6FFFF;
	_ =	strace $0x90000046  }
0xb3: {  	s29 =	simm.s32 $0x9;
	_ =	strace $0x80000048  }
0xb4: {  	_ =	swait.ge [sflag:s29], $0x1  }
0xb5: {  	[sflag:s29] =	ssyncadd.s32 $0xFFFFFFFF  }
0xb6: {  	_ =	strace $0x90000048  }
0xb7: {  	_ =	sfence  }
0xb8: {  	s30 =	sld [smem:$0x0];
	_ =	sdelay $0x2  }
0xb9: {  	s31 =	sshll.u32 s1, $0xD;
	s1 =	sshrl.u32 s1, $0x2  }
0xba: {  	s3 =	sand.u32 $0x4000, s31;
	s1 =	sadd.s32 s1, s30  }
0xbb: {  	s0 =	sor.u32 s3, s0;
	s1 =	sshll.u32 s1, $0x11  }
0xbc: {  	s0 =	sor.u32 s1, s0  }
0xbd: {  	s0 =	sadd.s32 $0x8F2B, s0  }
0xbe: {  	[sflag:s0] =	ssyncadd.remote.s32 $0x1  }
0xbf: {  	_ =	sfence.sel $0xFFFF  }
0xc0: {  	[dreg:$0x0] =	wrdreg $0xFFFFFFFF;
	(pc) =	sbr.abs _section_cstart, $3  }
0xc1: {  	[dreg:$0x1] =	wrdreg $0xFFFFFFFF  }
0xc2: {  	_ =	task.clear_ibuf [dreg:s7], $0x2FFFF;
	_ =	strace $0x9FFFFFFF  }
0xc3: {  	(tm) =	ssettm $0x7FFFFFFF  }
tec
execute0_lowered:
.L_overlay_start_1:
0x0: {  	(tag) =	ssettag $0x1  }
0x1: {  	s1 =	rddreg [dreg:$0x0]  }
0x2: {  	s0 =	srdreg.scid;
	s8 =	rddreg [dreg:$0x1]  }
0x3: {  	s23 =	stileid.u32;
	s2 =	rddreg [dreg:$0x2]  }
0x4: {  	s12 =	simm.s32 $0x2800;
	s13 =	simm.s32 $0x7D;
	s14 =	simm.s32 $0x5000  }
0x5: {  	s15 =	simm.s32 $0x80;
	s16 =	simm.s32 $0x5FA0;
	s17 =	simm.s32 $0x100  }
0x6: {  	s18 =	simm.s32 $0x6F40;
	s19 =	simm.s32 $0x180;
	s20 =	simm.s32 $0x7EE0  }
0x7: {  	s21 =	simm.s32 $0x1;
	s22 =	simm.s32 $0x2;
	s28 =	simm.s32 $0x4F00  }
0x8: {  	s29 =	simm.s32 $0x4F80;
	s5 =	sand.u32 $0x1, s0;
	s7 =	smul.u32 $0x9C4, s23  }
0x9: {  	s30 =	simm.s32 $0x0;
	s9 =	smul.u32 $0x13880, s23;
	s3 =	sshll.u32 s5, $0x4  }
0xa: {  	s10 =	ssub.s32 $0x2, s5;
	s11 =	smul.u32 $0x9C40, s5;
	s4 =	sor.u32 s23, s3  }
0xb: {  	s3 =	simm.s32 $0x0;
	s24 =	sshrl.u32 s10, $0x1;
	s25 =	sshrl.u32 s9, $0x2  }
0xc: {  	s23 =	simm.s32 $0x3;
	s6 =	smul.u32 $0x500, s4;
	[smem:$0x7FF] =	sst s3  }
0xd: {  	s4 =	sadd.s32 $0x15C00, s1;
	s26 =	ssub.s32 s10, s24;
	s5 =	sadd.s32 s25, s2  }
0xe: {  	s31 =	sadd.s32 s7, s11;
	s10 =	simm.s32 $0x8E80;
	s11 =	simm.s32 $0x5  }
0xf: {  	s24 =	simm.s32 $0x4;
	s25 =	simm.s32 $0x4E00;
	_ =	strace $0x80000047  }
0x10: {  	s8 =	sadd.s32 s8, s31;
	s9 =	smax.u32 s26, $0x1;
	s1 =	sadd.s32 s6, s1  }
0x11: {  	v0 =	vimm.f32 $0.0e+00;
	s26 =	simm.s32 $0x4E80;
	s6 =	sadd.s32 $0xBC00, s1;
	s7 =	sadd.s32 $0x1C00, s1  }
.LBB2_1:
0x12: {  	s1 =	simm.s32 $0x80;
	s31 =	simm.s32 $0x0  }
.LBB2_2:
0x13: {  	p0 =	sne.s32 s1, $0x13800;
	[tilespmem:s31+$0x8E80] =	vst v0;
	s0 =	smov.u32 s1;
	s1 =	sadd.s32 $0x80, s1  }
.Ltmp0:
0x14: {  	[tilespmem:s31+$0x8E90] =	vst v0;
	(pc) =	sbr.rel @p0 .LBB2_2-.Ltmp0, $2  }
0x15: {  	_ =	sdelay $0x2  }
0x16: {  	s31 =	sshra.s32 s0, $0x2  }
0x17: {  	[tilespmem:s31+$0x8E80] =	vst v0  }
0x18: {  	[tilespmem:s31+$0x8E90] =	vst v0  }
0x19: {  	[spmem:s5] =	stream.linear.scatter [tilespmem:s10], [sflag:$0x5], $0x4E20, $0x38;
	[tilespmem:$0x12AC0] =	vst v63  }
0x1a: {  	_ =	swait.ge [sflag:s11], $0x4E20  }
0x1b: {  	[sflag:s11] =	ssyncset.done $0x0  }
0x1c: {  	s0 =	simm.s32 $0x0;
	[sflag:s11] =	ssyncadd.s32 $0xFFFFB1E0  }
0x1d: {  	[tilespmem:s0], [sflag:$0x5] =	stream.linear.gather [hbm4b:s6+s0], $0x2800, $0x38;
	[tilespmem:$0x12AC0] =	vst v63  }
0x1e: {  	_ =	swait.ge [sflag:s11], $0x2800  }
0x1f: {  	[sflag:s11] =	ssyncset.done $0x0  }
0x20: {  	[sflag:s11] =	ssyncadd.s32 $0xFFFFD800  }
0x21: {  	[tilespmem:s12], [sflag:$0x5] =	stream.linear.gather [hbm4b:s7+s0], $0x2800, $0x38;
	[tilespmem:$0x12AC0] =	vst v63  }
0x22: {  	_ =	swait.ge [sflag:s11], $0x2800  }
0x23: {  	[sflag:s11] =	ssyncset.done $0x0  }
0x24: {  	[sflag:s11] =	ssyncadd.s32 $0xFFFFD800  }
0x25: {  	[bflag:$0x0] =	sbarrier.arrive $0xFFFF  }
0x26: {  	[tilespmem:s14], [sflag:$0x1] =	stream.indirect.gather [hbm4b:s4+s13], $0x20, s0, s13, $0xb8;
	[tilespmem:$0x12AC0] =	vst v63  }
0x27: {  	_ = 	snop  }
0x28: {  	[tilespmem:s16], [sflag:$0x2] =	stream.indirect.gather [hbm4b:s4+s13], $0x20, s15, s13, $0xb8;
	[tilespmem:$0x12AC0] =	vst v63  }
0x29: {  	_ = 	snop  }
0x2a: {  	[tilespmem:s18], [sflag:$0x3] =	stream.indirect.gather [hbm4b:s4+s13], $0x20, s17, s13, $0xb8;
	[tilespmem:$0x12AC0] =	vst v63  }
0x2b: {  	_ = 	snop  }
0x2c: {  	[tilespmem:s20], [sflag:$0x4] =	stream.indirect.gather [hbm4b:s4+s13], $0x20, s19, s13, $0xb8;
	[tilespmem:$0x12AC0] =	vst v63  }
0x2d: {  	_ =	swait.ge [sflag:s21], $0xFA0  }
0x2e: {  	[sflag:s21] =	ssyncset.done $0x0  }
0x2f: {  	s1 =	simm.s32 $0x2800;
	[sflag:s21] =	ssyncadd.s32 $0xFFFFF060  }
0x30: {  	[spmem:s2] =	stream.indirect.scatter.add.f32 [tilespmem:s14], [sflag:$0x5], $0x20, s1, s13, $0xb8;
	[tilespmem:$0x12AC0] =	vst v63  }
0x31: {  	_ =	swait.ge [sflag:s11], $0xFA0  }
0x32: {  	[sflag:s11] =	ssyncset.done $0x0  }
0x33: {  	s1 =	simm.s32 $0x200;
	[sflag:s11] =	ssyncadd.s32 $0xFFFFF060  }
0x34: {  	[tilespmem:s14], [sflag:$0x1] =	stream.indirect.gather [hbm4b:s4+s13], $0x20, s1, s13, $0xb8;
	[tilespmem:$0x12AC0] =	vst v63  }
0x35: {  	_ =	swait.ge [sflag:s22], $0xFA0  }
0x36: {  	[sflag:s22] =	ssyncset.done $0x0  }
0x37: {  	s1 =	simm.s32 $0x2880;
	[sflag:s22] =	ssyncadd.s32 $0xFFFFF060  }
0x38: {  	[spmem:s2] =	stream.indirect.scatter.add.f32 [tilespmem:s16], [sflag:$0x5], $0x20, s1, s13, $0xb8;
	[tilespmem:$0x12AC0] =	vst v63  }
0x39: {  	_ =	swait.ge [sflag:s11], $0xFA0  }
0x3a: {  	[sflag:s11] =	ssyncset.done $0x0  }
0x3b: {  	s1 =	simm.s32 $0x280;
	[sflag:s11] =	ssyncadd.s32 $0xFFFFF060  }
0x3c: {  	[tilespmem:s16], [sflag:$0x2] =	stream.indirect.gather [hbm4b:s4+s13], $0x20, s1, s13, $0xb8;
	[tilespmem:$0x12AC0] =	vst v63  }
0x3d: {  	_ =	swait.ge [sflag:s23], $0xFA0  }
0x3e: {  	[sflag:s23] =	ssyncset.done $0x0  }
0x3f: {  	s1 =	simm.s32 $0x2900;
	[sflag:s23] =	ssyncadd.s32 $0xFFFFF060  }
0x40: {  	[spmem:s2] =	stream.indirect.scatter.add.f32 [tilespmem:s18], [sflag:$0x5], $0x20, s1, s13, $0xb8;
	[tilespmem:$0x12AC0] =	vst v63  }
0x41: {  	_ =	swait.ge [sflag:s11], $0xFA0  }
0x42: {  	[sflag:s11] =	ssyncset.done $0x0  }
0x43: {  	s1 =	simm.s32 $0x300;
	[sflag:s11] =	ssyncadd.s32 $0xFFFFF060  }
0x44: {  	[tilespmem:s18], [sflag:$0x3] =	stream.indirect.gather [hbm4b:s4+s13], $0x20, s1, s13, $0xb8;
	[tilespmem:$0x12AC0] =	vst v63  }
0x45: {  	_ =	swait.ge [sflag:s24], $0xFA0  }
0x46: {  	[sflag:s24] =	ssyncset.done $0x0  }
0x47: {  	s1 =	simm.s32 $0x2980;
	[sflag:s24] =	ssyncadd.s32 $0xFFFFF060  }
0x48: {  	[spmem:s2] =	stream.indirect.scatter.add.f32 [tilespmem:s20], [sflag:$0x5], $0x20, s1, s13, $0xb8;
	[tilespmem:$0x12AC0] =	vst v63  }
0x49: {  	_ =	swait.ge [sflag:s11], $0xFA0  }
0x4a: {  	[sflag:s11] =	ssyncset.done $0x0  }
0x4b: {  	s31 =	simm.s32 $0x800;
	s1 =	simm.s32 $0x380;
	[sflag:s11] =	ssyncadd.s32 $0xFFFFF060  }
.LBB2_4:
0x4c: {  	[tilespmem:s20], [sflag:$0x4] =	stream.indirect.gather [hbm4b:s4+s13], $0x20, s1, s13, $0xb8;
	[tilespmem:$0x12AC0] =	vst v63  }
0x4d: {  	s0 =	smov.u32 s31  }
0x4e: {  	p0 =	sne.s32 s31, $0x9000;
	s31 =	sadd.s32 $0x800, s31;
	_ =	swait.ge [sflag:s21], $0xFA0  }
0x4f: {  	s1 =	sshra.s32 s0, $0x2;
	[sflag:s21] =	ssyncset.done $0x0  }
0x50: {  	s0 =	sadd.s32 $0x2800, s1;
	[sflag:s21] =	ssyncadd.s32 $0xFFFFF060  }
0x51: {  	[spmem:s2] =	stream.indirect.scatter.add.f32 [tilespmem:s14], [sflag:$0x5], $0x20, s0, s13, $0xb8;
	[tilespmem:$0x12AC0] =	vst v63  }
0x52: {  	_ =	swait.ge [sflag:s11], $0xFA0  }
0x53: {  	[sflag:s11] =	ssyncset.done $0x0  }
0x54: {  	s0 =	sadd.s32 $0x200, s1;
	[sflag:s11] =	ssyncadd.s32 $0xFFFFF060  }
0x55: {  	[tilespmem:s14], [sflag:$0x1] =	stream.indirect.gather [hbm4b:s4+s13], $0x20, s0, s13, $0xb8;
	[tilespmem:$0x12AC0] =	vst v63  }
0x56: {  	_ =	swait.ge [sflag:s22], $0xFA0  }
0x57: {  	[sflag:s22] =	ssyncset.done $0x0  }
0x58: {  	s0 =	sadd.s32 $0x2880, s1;
	[sflag:s22] =	ssyncadd.s32 $0xFFFFF060  }
0x59: {  	[spmem:s2] =	stream.indirect.scatter.add.f32 [tilespmem:s16], [sflag:$0x5], $0x20, s0, s13, $0xb8;
	[tilespmem:$0x12AC0] =	vst v63  }
0x5a: {  	_ =	swait.ge [sflag:s11], $0xFA0  }
0x5b: {  	[sflag:s11] =	ssyncset.done $0x0  }
0x5c: {  	s0 =	sadd.s32 $0x280, s1;
	[sflag:s11] =	ssyncadd.s32 $0xFFFFF060  }
0x5d: {  	[tilespmem:s16], [sflag:$0x2] =	stream.indirect.gather [hbm4b:s4+s13], $0x20, s0, s13, $0xb8;
	[tilespmem:$0x12AC0] =	vst v63  }
0x5e: {  	_ =	swait.ge [sflag:s23], $0xFA0  }
0x5f: {  	[sflag:s23] =	ssyncset.done $0x0  }
0x60: {  	s0 =	sadd.s32 $0x2900, s1;
	[sflag:s23] =	ssyncadd.s32 $0xFFFFF060  }
0x61: {  	[spmem:s2] =	stream.indirect.scatter.add.f32 [tilespmem:s18], [sflag:$0x5], $0x20, s0, s13, $0xb8;
	[tilespmem:$0x12AC0] =	vst v63  }
0x62: {  	_ =	swait.ge [sflag:s11], $0xFA0  }
0x63: {  	[sflag:s11] =	ssyncset.done $0x0  }
0x64: {  	s0 =	sadd.s32 $0x300, s1;
	[sflag:s11] =	ssyncadd.s32 $0xFFFFF060  }
0x65: {  	[tilespmem:s18], [sflag:$0x3] =	stream.indirect.gather [hbm4b:s4+s13], $0x20, s0, s13, $0xb8;
	[tilespmem:$0x12AC0] =	vst v63  }
0x66: {  	_ =	swait.ge [sflag:s24], $0xFA0  }
0x67: {  	[sflag:s24] =	ssyncset.done $0x0  }
.Ltmp1:
0x68: {  	s0 =	sadd.s32 $0x2980, s1;
	[sflag:s24] =	ssyncadd.s32 $0xFFFFF060;
	(pc) =	sbr.rel @p0 .LBB2_4-.Ltmp1, $4  }
0x69: {  	[spmem:s2] =	stream.indirect.scatter.add.f32 [tilespmem:s20], [sflag:$0x5], $0x20, s0, s13, $0xb8;
	[tilespmem:$0x12AC0] =	vst v63  }
0x6a: {  	_ =	swait.ge [sflag:s11], $0xFA0  }
0x6b: {  	[sflag:s11] =	ssyncset.done $0x0  }
0x6c: {  	s1 =	sadd.s32 $0x380, s1;
	[sflag:s11] =	ssyncadd.s32 $0xFFFFF060  }
0x6d: {  	[tilespmem:s20], [sflag:$0x4] =	stream.indirect.gather [hbm4b:s4+s13], $0x20, s1, s13, $0xb8;
	[tilespmem:$0x12AC0] =	vst v63  }
0x6e: {  	_ =	swait.ge [sflag:s21], $0xFA0  }
0x6f: {  	[sflag:s21] =	ssyncset.done $0x0  }
0x70: {  	[sflag:s21] =	ssyncadd.s32 $0xFFFFF060  }
0x71: {  	[spmem:s2] =	stream.indirect.scatter.add.f32 [tilespmem:s14], [sflag:$0x5], $0x20, s25, s13, $0xb8;
	[tilespmem:$0x12AC0] =	vst v63  }
0x72: {  	_ =	swait.ge [sflag:s11], $0xFA0  }
0x73: {  	[sflag:s11] =	ssyncset.done $0x0  }
0x74: {  	[sflag:s11] =	ssyncadd.s32 $0xFFFFF060  }
0x75: {  	_ =	swait.ge [sflag:s22], $0xFA0  }
0x76: {  	[sflag:s22] =	ssyncset.done $0x0  }
0x77: {  	[sflag:s22] =	ssyncadd.s32 $0xFFFFF060  }
0x78: {  	[spmem:s2] =	stream.indirect.scatter.add.f32 [tilespmem:s16], [sflag:$0x5], $0x20, s26, s13, $0xb8;
	[tilespmem:$0x12AC0] =	vst v63  }
0x79: {  	_ =	swait.ge [sflag:s11], $0xFA0  }
0x7a: {  	[sflag:s11] =	ssyncset.done $0x0  }
0x7b: {  	[sflag:s11] =	ssyncadd.s32 $0xFFFFF060  }
0x7c: {  	_ =	swait.ge [sflag:s23], $0xFA0  }
0x7d: {  	[sflag:s23] =	ssyncset.done $0x0  }
0x7e: {  	[sflag:s23] =	ssyncadd.s32 $0xFFFFF060  }
0x7f: {  	[spmem:s2] =	stream.indirect.scatter.add.f32 [tilespmem:s18], [sflag:$0x5], $0x20, s28, s13, $0xb8;
	[tilespmem:$0x12AC0] =	vst v63  }
0x80: {  	_ =	swait.ge [sflag:s11], $0xFA0  }
0x81: {  	[sflag:s11] =	ssyncset.done $0x0  }
0x82: {  	[sflag:s11] =	ssyncadd.s32 $0xFFFFF060  }
0x83: {  	_ =	swait.ge [sflag:s24], $0xFA0  }
0x84: {  	[sflag:s24] =	ssyncset.done $0x0  }
0x85: {  	[sflag:s24] =	ssyncadd.s32 $0xFFFFF060  }
0x86: {  	[spmem:s2] =	stream.indirect.scatter.add.f32 [tilespmem:s20], [sflag:$0x5], $0x20, s29, s13, $0xb8;
	[tilespmem:$0x12AC0] =	vst v63  }
0x87: {  	_ =	swait.ge [sflag:s11], $0xFA0  }
0x88: {  	[sflag:s11] =	ssyncset.done $0x0  }
0x89: {  	[sflag:s11] =	ssyncadd.s32 $0xFFFFF060  }
0x8a: {  	[bflag:$0x0] =	sbarrier.arrive $0xFFFF  }
0x8b: {  	[tilespmem:s10], [sflag:$0x5] =	stream.linear.gather [spmem:s5], $0x4E20, $0x38;
	[tilespmem:$0x12AC0] =	vst v63  }
0x8c: {  	s30 =	sadd.s32 $0x1, s30;
	_ =	swait.ge [sflag:s11], $0x4E20  }
0x8d: {  	p0 =	sne.s32 s30, s9;
	[sflag:s11] =	ssyncset.done $0x0  }
.Ltmp2:
0x8e: {  	[sflag:s11] =	ssyncadd.s32 $0xFFFFB1E0;
	(pc) =	sbr.rel @p0 .LBB2_1-.Ltmp2, $4  }
0x8f: {  	[hbm4b:s8+s3] =	stream.linear.scatter [tilespmem:s10], [sflag:$0x5], $0x4E20, $0x38;
	[tilespmem:$0x12AC0] =	vst v63  }
0x90: {  	_ =	swait.ge [sflag:s11], $0x4E20  }
0x91: {  	[sflag:s11] =	ssyncset.done $0x0  }
0x92: {  	[sflag:s11] =	ssyncadd.s32 $0xFFFFB1E0  }
0x93: {  	_ =	sfence.sel $0x180000  }
0x94: {  	[bflag:$0x0] =	sbarrier.arrive $0xFFFF  }
0x95: {  	_ =	strace $0x90000047  }
0x96: {  	s0 =	stileid.u32;
	[bflag:$0x2] =	sbarrier.arrive $0xFFFF  }
0x97: {  	p0 =	sne.s32 s0, $0x0;
	s0 =	rddreg [dreg:$0x3]  }
0x98: {  	s0 =	sadd.s32 @!p0 $0x100000, s0  }
0x99: {  	[sflag:s0] =	ssyncadd.tile.s32 @!p0 $0x1;
	_ =	shalt  }
.Lfunc_end2:
_tile_overlayer_lowered:
.L_overlay_start_2:
0x9a: {  	(tag) =	ssettag $0x2  }
0x9b: {  	s0 =	rddreg [dreg:$0x0];
	s2 =	stileid.u32  }
0x9c: {  	s1 =	rddreg [dreg:$0x1];
	p0 =	sne.s32 s2, $0x0  }
0x9d: {  	s3 =	rddreg [dreg:$0x2];
	[bflag:$0x3] =	sbarrier.arrive $0xFFFF;
	s2 =	simm.s32 @!p0 $0x1C05  }
0x9e: {  	[timem:s3], [sflag:s2] =	dma.local @!p0 [hbm:s0], s1  }
0x9f: {  	s0 =	simm.s32 @!p0 $0x5  }
0xa0: {  	_ =	swait.ge @!p0 [sflag:s0], s1  }
0xa1: {  	s1 =	ssub.s32 @!p0 $0x0, s1;
	[sflag:s0] =	ssyncset.done @!p0 $0x0  }
0xa2: {  	[sflag:s0] =	ssyncadd.s32 @!p0 s1  }
0xa3: {  	[bflag:$0x3] =	sbarrier.arrive $0xFFFF  }
0xa4: {  	_ =	shalt  }

// kernel: kernel.9.cloned.1.call-start
scs
__scs_entry_jumppad:
0x0: {  	(pc) =	sbr.rel $0x88, $3  }
0x1: {  	(tag) =	ssettag $0x0;
	lr =	simm.s32 $0x1  }
0x2: {  	[smem:$0x3F99] =	sst lr;
	_ =	strace $0xD0000000  }
0x3: {  	_ = 	snop  }
0x4: {  	_ = 	snop  }
0x5: {  	_ = 	snop  }
0x6: {  	_ = 	snop  }
0x7: {  	_ = 	snop  }
__scs_overlays_trampoline_lowered:
0x8: {  	[smem:$0x3FA8] =	sst s0  }
0x9: {  	[smem:$0x3FA9] =	sst s1  }
0xa: {  	[smem:$0x3FAA] =	sst s2  }
0xb: {  	[smem:$0x3FAB] =	sst s3  }
0xc: {  	[smem:$0x3FAC] =	sst s4  }
0xd: {  	[smem:$0x3FAD] =	sst s5  }
0xe: {  	[smem:$0x3FAE] =	sst s6  }
0xf: {  	[smem:$0x3FAF] =	sst s7  }
0x10: {  	[smem:$0x3FB0] =	sst s8  }
0x11: {  	[smem:$0x3FB1] =	sst s9;
	s0 =	simm.s32 @!p0 $0x0  }
0x12: {  	s1 =	sld [smem:$0x3F97];
	s0 =	simm.s32 @p0 $0x1  }
0x13: {  	[smem:$0x3FB2] =	sst s0;
	s0 =	simm.s32 @!p1 $0x0  }
0x14: {  	s2 =	sld [smem:$0x3F96];
	s0 =	simm.s32 @p1 $0x1  }
0x15: {  	[smem:$0x3FB3] =	sst s0;
	s0 =	simm.s32 @!p2 $0x0  }
0x16: {  	s3 =	sld [smem:$0x3FDB];
	s0 =	simm.s32 @p2 $0x1  }
0x17: {  	s4 =	simm.s32 $0x1BF5;
	[smem:$0x3FB5] =	sst s0  }
0x18: {  	s0 =	sld [smem:$0x3F98];
	_ =	swait.ge [sflag:s4], $0x0  }
0x19: {  	s7 =	sld [smem:$0x3F99]  }
0x1a: {  	s8 =	sadd.s32 $0xFFFFE003, lr  }
0x1b: {  	s9 =	sadd.s32 $0xFFFFFEF7, lr;
	s5 =	simm.s32 $0xFFFFFFFF;
	p2 =	slt.u32 s8, $0xFFFFF086  }
0x1c: {  	p1 =	slt.u32 s9, $0xF7A;
	s5 =	simm.s32 @!p2 $0x0  }
0x1d: {  	s5 =	simm.s32 @p1 $0x1;
	p0 =	seq.s32 s7, s2  }
0x1e: {  	s7 =	smul.u32 @!p0 $0xF7A, s2;
	p2 =	seq.s32 @!p0 s5, $0x0  }
0x1f: {  	s9 =	smul.u32 $0xF7A, s1;
	s8 =	simm.s32 @!p0 $0x1BF5;
	p2 =	por !p2, p0  }
0x20: {  	[sflag:s8] =	ssyncset.s32 @!p0 $0xFFFFF086;
	s6 =	sadd.s32 @!p0 s3, s7;
	s7 =	simm.s32 @!p0 $0x108  }
0x21: {  	s3 =	sadd.s32 s3, s9;
	s6 =	sadd.s32 @!p0 $0x88, s6;
	s7 =	simm.s32 @p2 $0x1082  }
0x22: {  	[simem:s7], [sflag:s8] =	dma.local @!p0 [hbm:s6], $0xF7A  }
0x23: {  	s9 =	sor.u32 $0xD0000000, s2;
	s6 =	simm.s32 $0x108;
	_ =	swait.ge @!p0 [sflag:s8], $0x0  }
0x24: {  	s3 =	sadd.s32 $0x88, s3;
	s6 =	simm.s32 @!p1 $0x1082;
	[sflag:s4] =	ssyncset.s32 $0xFFFFF086  }
0x25: {  	[simem:s6], [sflag:s4] =	dma.local [hbm:s3], $0xF7A  }
0x26: {  	[smem:$0x3F99] =	sst s1;
	(tag) =	ssettag s2;
	_ =	strace s9  }
0x27: {  	s1 =	sld [smem:$0x3FA9]  }
0x28: {  	s2 =	sld [smem:$0x3FAA]  }
0x29: {  	s4 =	sld [smem:$0x3FAC]  }
0x2a: {  	p0 =	seq.s32 s5, $0x0;
	s5 =	sld [smem:$0x3FAD]  }
0x2b: {  	s6 =	sld [smem:$0x3FAE]  }
0x2c: {  	s7 =	sld [smem:$0x3FAF]  }
0x2d: {  	s3 =	simm.s32 $0x108;
	s8 =	sld [smem:$0x3FB0]  }
0x2e: {  	s3 =	simm.s32 @!p0 $0x1082;
	s9 =	sld [smem:$0x3FB1]  }
0x2f: {  	lr =	sadd.s32 s0, s3;
	s0 =	sld [smem:$0x3FA8]  }
0x30: {  	s3 =	sld [smem:$0x3FAB]  }
0x31: {  	[smem:$0x3FB4] =	sst s10  }
0x32: {  	s10 =	sld [smem:$0x3FB2];
	_ =	sdelay $0x3  }
0x33: {  	p0 =	seq.s32 s10, $0x1;
	s10 =	sld [smem:$0x3FB4];
	_ =	sdelay $0x3  }
0x34: {  	[smem:$0x3FB4] =	sst s10  }
0x35: {  	s10 =	sld [smem:$0x3FB3];
	_ =	sdelay $0x3  }
0x36: {  	p1 =	seq.s32 s10, $0x1;
	s10 =	sld [smem:$0x3FB4];
	_ =	sdelay $0x3  }
0x37: {  	[smem:$0x3FB4] =	sst s10  }
0x38: {  	s10 =	sld [smem:$0x3FB5]  }
0x39: {  	_ = 	snop;
	(pc) =	sbr.ind lr, $3  }
0x3a: {  	_ = 	snop  }
0x3b: {  	_ = 	snop  }
0x3c: {  	p2 =	seq.s32 s10, $0x1;
	s10 =	sld [smem:$0x3FB4]  }
0x3d: {  	_ =	shalt  }
0x3e: {  	_ =	shalt  }
0x3f: {  	_ =	shalt  }
0x40: {  	_ =	shalt  }
0x41: {  	_ =	shalt  }
0x42: {  	_ =	shalt  }
0x43: {  	_ =	shalt  }
0x44: {  	_ =	shalt  }
0x45: {  	_ =	shalt  }
0x46: {  	_ =	shalt  }
0x47: {  	_ =	shalt  }
0x48: {  	_ =	shalt  }
0x49: {  	_ =	shalt  }
0x4a: {  	_ =	shalt  }
0x4b: {  	_ =	shalt  }
0x4c: {  	_ =	shalt  }
0x4d: {  	_ =	shalt  }
0x4e: {  	_ =	shalt  }
0x4f: {  	_ =	shalt  }
0x50: {  	_ =	shalt  }
0x51: {  	_ =	shalt  }
0x52: {  	_ =	shalt  }
0x53: {  	_ =	shalt  }
0x54: {  	_ =	shalt  }
0x55: {  	_ =	shalt  }
0x56: {  	_ =	shalt  }
0x57: {  	_ =	shalt  }
0x58: {  	_ =	shalt  }
0x59: {  	_ =	shalt  }
0x5a: {  	_ =	shalt  }
0x5b: {  	_ =	shalt  }
0x5c: {  	_ =	shalt  }
0x5d: {  	_ =	shalt  }
0x5e: {  	_ =	shalt  }
0x5f: {  	_ =	shalt  }
0x60: {  	_ =	shalt  }
0x61: {  	_ =	shalt  }
0x62: {  	_ =	shalt  }
0x63: {  	_ =	shalt  }
0x64: {  	_ =	shalt  }
0x65: {  	_ =	shalt  }
0x66: {  	_ =	shalt  }
0x67: {  	_ =	shalt  }
0x68: {  	_ =	shalt  }
0x69: {  	_ =	shalt  }
0x6a: {  	_ =	shalt  }
0x6b: {  	_ =	shalt  }
0x6c: {  	_ =	shalt  }
0x6d: {  	_ =	shalt  }
0x6e: {  	_ =	shalt  }
0x6f: {  	_ =	shalt  }
0x70: {  	_ =	shalt  }
0x71: {  	_ =	shalt  }
0x72: {  	_ =	shalt  }
0x73: {  	_ =	shalt  }
0x74: {  	_ =	shalt  }
0x75: {  	_ =	shalt  }
0x76: {  	_ =	shalt  }
0x77: {  	_ =	shalt  }
0x78: {  	_ =	shalt  }
0x79: {  	_ =	shalt  }
0x7a: {  	_ =	shalt  }
0x7b: {  	_ =	shalt  }
0x7c: {  	_ =	shalt  }
0x7d: {  	_ =	shalt  }
0x7e: {  	_ =	shalt  }
0x7f: {  	_ =	shalt  }
0x80: {  	_ =	shalt  }
0x81: {  	_ =	shalt  }
0x82: {  	_ =	shalt  }
0x83: {  	_ =	shalt  }
0x84: {  	_ =	shalt  }
0x85: {  	_ =	shalt  }
0x86: {  	_ =	shalt  }
0x87: {  	_ =	shalt  }
.Lfunc_end0:
.L_simem_size_0:
called_computation.1_lowered:
.L_overlay_start_0:
0x88: {  	s2 =	sld [smem:$0x3FD9]  }
0x89: {  	s3 =	sld [smem:$0x3FFE];
	_ =	sdelay $0x1  }
0x8a: {  	s1 =	srdreg.scid  }
0x8b: {  	s0 =	sand.u32 $0x1, s1  }
0x8c: {  	s17 =	sshll.u32 s0, $0xA;
	s2 =	sadd.s32 s3, s2  }
0x8d: {  	s2 =	sadd.s32 s2, s17  }
0x8e: {  	[smem:$0x3FC0] =	sst s2  }
0x8f: {  	_ = 	snop  }
0x90: {  	s2 =	sld [smem:$0x3FC6]  }
0x91: {  	s18 =	sld [smem:$0x3FD0];
	(tm) =	ssettm $0x1  }
0x92: {  	s4 =	sld [smem:$0x3FFB];
	_ =	sdelay $0x3  }
0x93: {  	_ =	strace s4  }
0x94: {  	s4 =	sld [smem:$0x3FFC];
	_ =	sdelay $0x3  }
0x95: {  	_ =	strace s4  }
0x96: {  	s4 =	sld [smem:$0x3FFD];
	_ =	sdelay $0x3  }
0x97: {  	_ =	strace s4  }
0x98: {  	_ =	strace $0x8FFFFFFF  }
0x99: {  	s19 =	sld [smem:$0x3FDB];
	_ =	sdelay $0x1  }
0x9a: {  	s5 =	simm.s32 $_scs_section_size  }
0x9b: {  	s6 =	simm.s32 $_size__tile_overlayer_lowered;
	s7 =	simm.s32 $_tile_overlayer_lowered  }
0x9c: {  	s22 =	simm.s32 $0x1BFF;
	s21 =	sshll.u32 s7, $0x1;
	s4 =	sadd.s32 s5, s19  }
0x9d: {  	s8 =	simm.s32 $0x0;
	s20 =	sshll.u32 s6, $0x1;
	s6 =	sadd.s32 s21, s4  }
0x9e: {  	[timem:s8], [sflag:s22] =	dma.local [hbm:s6], s20  }
0x9f: {  	_ =	swait.ge [sflag:s22], s20  }
0xa0: {  	s5 =	ssub.s32 $0x0, s20;
	[sflag:s22] =	ssyncset.done $0x0  }
0xa1: {  	[sflag:s22] =	ssyncadd.s32 s5;
	_ =	sdelay $0x1  }
0xa2: {  	s23 =	simm.s32 $0x1B8B  }
0xa3: {  	_ =	swait.ge [sflag:s23], $0x1  }
0xa4: {  	[sflag:s23] =	ssyncset.done $0x0  }
0xa5: {  	s25 =	simm.s32 $0x1B8E;
	s24 =	sld [smem:$0x3FFE];
	[sflag:s23] =	ssyncadd.s32 $0xFFFFFFFF  }
0xa6: {  	s26 =	simm.s32 $execute0_lowered;
	[smem:$0x3FD2] =	sst s25  }
0xa7: {  	s6 =	sshll.u32 s26, $0x1;
	_ =	strace $0x80000049;
	[dreg:$0x1] =	wrdreg $0xFFFFFFFF  }
0xa8: {  	s28 =	simm.s32 $_size_execute0_lowered;
	s4 =	sadd.s32 s4, s6;
	[dreg:$0x0] =	wrdreg $0x0  }
0xa9: {  	s6 =	sshll.u32 s28, $0x1;
	[dreg:$0x2] =	wrdreg s4  }
0xaa: {  	[dreg:$0x3] =	wrdreg s6  }
0xab: {  	[dreg:$0x4] =	wrdreg $0xC0  }
0xac: {  	_ =	task [dreg:s8], $0x5FFFF  }
0xad: {  	[dreg:$0x1] =	wrdreg $0xFFFFFFFF  }
0xae: {  	[dreg:$0x0] =	wrdreg $0x60  }
0xaf: {  	[dreg:$0x2] =	wrdreg s18  }
0xb0: {  	[dreg:$0x3] =	wrdreg s24  }
0xb1: {  	[dreg:$0x4] =	wrdreg s2  }
0xb2: {  	[dreg:$0x5] =	wrdreg $0x159B00  }
0xb3: {  	[dreg:$0x6] =	wrdreg $0x9  }
0xb4: {  	_ =	task.clear_ibuf [dreg:s8], $0x7FFFF;
	_ =	strace $0x90000049  }
0xb5: {  	s29 =	simm.s32 $0x9;
	_ =	strace $0x8000004B  }
0xb6: {  	_ =	swait.ge [sflag:s29], $0x1  }
0xb7: {  	[sflag:s29] =	ssyncadd.s32 $0xFFFFFFFF  }
0xb8: {  	_ =	strace $0x9000004B  }
0xb9: {  	_ =	sfence  }
0xba: {  	s30 =	sld [smem:$0x0];
	_ =	sdelay $0x2  }
0xbb: {  	s31 =	sshll.u32 s1, $0xD;
	s1 =	sshrl.u32 s1, $0x2  }
0xbc: {  	s3 =	sand.u32 $0x4000, s31;
	s1 =	sadd.s32 s1, s30  }
0xbd: {  	s0 =	sor.u32 s3, s0;
	s1 =	sshll.u32 s1, $0x11  }
0xbe: {  	s0 =	sor.u32 s1, s0  }
0xbf: {  	s0 =	sadd.s32 $0x8F2B, s0  }
0xc0: {  	[sflag:s0] =	ssyncadd.remote.s32 $0x1  }
0xc1: {  	_ =	sfence.sel $0xFFFF  }
0xc2: {  	[dreg:$0x0] =	wrdreg $0xFFFFFFFF;
	(pc) =	sbr.abs _section_cstart, $3  }
0xc3: {  	[dreg:$0x1] =	wrdreg $0xFFFFFFFF  }
0xc4: {  	_ =	task.clear_ibuf [dreg:s8], $0x2FFFF;
	_ =	strace $0x9FFFFFFF  }
0xc5: {  	(tm) =	ssettm $0x7FFFFFFF  }
tec
execute0_lowered:
.L_overlay_start_1:
0x0: {  	(tag) =	ssettag $0x1  }
0x1: {  	s0 =	rddreg [dreg:$0x0]  }
0x2: {  	s1 =	rddreg [dreg:$0x1]  }
0x3: {  	s3 =	rddreg [dreg:$0x3];
	s11 =	stileid.u32  }
0x4: {  	s5 =	srdreg.scid;
	s4 =	simm.s32 $0x0;
	s16 =	simm.s32 $0x5  }
0x5: {  	s20 =	simm.s32 $0x6F40;
	s28 =	simm.s32 $0x5FA0;
	s30 =	simm.s32 $0x6770  }
0x6: {  	s31 =	simm.s32 $0x1;
	s18 =	simm.s32 $0x4F00;
	s2 =	smul.u32 $0x2710, s11  }
0x7: {  	s19 =	simm.s32 $0x4F80;
	s21 =	simm.s32 $0x0;
	s6 =	smul.u32 $0x271, s11  }
0x8: {  	s5 =	sand.u32 $0x1, s5;
	[smem:$0x7FF] =	sst s4;
	s24 =	smul.u32 $0x4E20, s11  }
0x9: {  	s7 =	sshll.u32 s5, $0x4;
	s8 =	smul.u32 $0x2710, s5;
	_ =	strace $0x8000004A  }
0xa: {  	s25 =	ssub.s32 $0x2, s5;
	s5 =	sadd.s32 $0xBC00, s1;
	s7 =	sor.u32 s11, s7  }
0xb: {  	s9 =	sshrl.u32 s2, $0x3;
	s10 =	sshrl.u32 s25, $0x1;
	s11 =	smul.u32 $0x9C4, s11  }
0xc: {  	s7 =	smul.u32 $0x500, s7;
	s6 =	sadd.s32 s6, s8;
	s22 =	sadd.s32 s9, s1  }
0xd: {  	s26 =	ssub.s32 s25, s10;
	s10 =	sadd.s32 s2, s3;
	s25 =	simm.s32 $0x57D0  }
0xe: {  	s2 =	simm.s32 $0x4;
	s23 =	sshll.u32 s6, $0x1;
	s6 =	sshrl.u32 s24, $0x3  }
0xf: {  	s8 =	sadd.s32 $0x29A00, s22;
	s14 =	smax.u32 s26, $0x1;
	s22 =	simm.s32 $0x7D  }
0x10: {  	s12 =	sadd.s32 s7, s1;
	s13 =	sadd.s32 s23, s1;
	s29 =	sadd.s32 s0, s6  }
0x11: {  	s6 =	sadd.s32 s0, s11;
	s9 =	sadd.s32 s5, s23;
	s23 =	simm.s32 $0x5000  }
0x12: {  	s0 =	simm.s32 $0x2;
	s1 =	simm.s32 $0x3;
	s7 =	sadd.s32 $0x9C40, s29  }
0x13: {  	v0 =	vimm.f32 $0.0e+00;
	s11 =	sadd.s32 $0x1FA00, s12;
	s12 =	sadd.s32 $0x1C00, s12;
	s13 =	sadd.s32 $0x15A00, s13  }
.LBB2_1:
0x14: {  	s15 =	simm.s32 $0x9650  }
0x15: {  	[tilespmem:s15], [sflag:$0x5] =	stream.linear.gather [hbm4b:s6+s4], $0x4E20, $0x38;
	[tilespmem:$0x180C0] =	vst v63  }
0x16: {  	_ =	swait.ge [sflag:s16], $0x4E20  }
0x17: {  	[sflag:s16] =	ssyncset.done $0x0  }
0x18: {  	s17 =	simm.s32 $0xE470;
	[sflag:s16] =	ssyncadd.s32 $0xFFFFB1E0  }
0x19: {  	[tilespmem:s17], [sflag:$0x5] =	stream.linear.gather [hbm4b:s7+s4], $0x4E20, $0x38;
	[tilespmem:$0x180C0] =	vst v63  }
0x1a: {  	_ =	swait.ge [sflag:s16], $0x4E20  }
0x1b: {  	[sflag:s16] =	ssyncset.done $0x0  }
0x1c: {  	s24 =	simm.s32 $0x13290;
	[sflag:s16] =	ssyncadd.s32 $0xFFFFB1E0  }
0x1d: {  	[tilespmem:s24], [sflag:$0x5] =	stream.linear.gather [hbm4b:s8+s4], $0x2710, $0x38;
	[tilespmem:$0x180C0] =	vst v63  }
0x1e: {  	_ =	swait.ge [sflag:s16], $0x2710  }
0x1f: {  	[sflag:s16] =	ssyncset.done $0x0  }
0x20: {  	[sflag:s16] =	ssyncadd.s32 $0xFFFFD8F0  }
0x21: {  	s17 =	simm.s32 $0x159A0;
	s26 =	rddreg [dreg:$0x2]  }
0x22: {  	[tilespmem:s17], [sflag:$0x5] =	stream.linear.gather [hbm4b:s26+s4], $0x10, $0x38;
	[tilespmem:$0x180C0] =	vst v63  }
0x23: {  	_ =	swait.ge [sflag:s16], $0x10  }
0x24: {  	[sflag:s16] =	ssyncset.done $0x0  }
0x25: {  	[sflag:s16] =	ssyncadd.s32 $0xFFFFFFF0  }
0x26: {  	s24 =	simm.s32 $0x9660;
	v1 =	vld [tilespmem:$0x159A0]  }
0x27: {  	s26 =	simm.s32 $0xE480;
	v2 =	vld [tilespmem:s24+$0x0]  }
0x28: {  	s29 =	simm.s32 $0x0;
	s15 =	simm.s32 $0x40;
	v3 =	vld [tilespmem:s26+$0x0]  }
.LBB2_2:
0x29: {  	p0 =	sne.s32 s15, $0x9C00;
	_ =	sdelay $0x3  }
0x2a: {  	v2 =	vadd.f32 v3, v2;
	_ =	sdelay $0x1  }
0x2b: {  	v2 =	vmax.f32 v2, $1.000000000e+00  }
0x2c: {  	(erf) = vrcp.f32 v2;
	_ =	sdelay $0x1  }
0x2d: {  	v2 =	vld [tilespmem:s26+$0xFFFFFFF0]  }
0x2e: {  	v3 =	vld [tilespmem:s24+$0xFFFFFFF0];
	_ =	sdelay $0x4  }
0x2f: {  	s17 =	sshra.s32 s29, $0x2;
	s29 =	smov.u32 s15;
	v2 =	vadd.f32 v2, v3  }
0x30: {  	v3 =	vld [tilespmem:s17+$0x13290];
	v4 =	vpop (erf)  }
0x31: {  	v2 =	vmul.f32 v4, v2;
	_ =	sdelay $0x1  }
0x32: {  	v2 =	vadd.f32 v2, v1;
	_ =	sdelay $0x1  }
0x33: {  	v2 =	vadd.f32 v2, v3  }
.Ltmp0:
0x34: {  	(pc) =	sbr.rel @p0 .LBB2_2-.Ltmp0, $4  }
0x35: {  	v2 =	vmax.f32 v2, $0.0e+00  }
0x36: {  	s24 =	sadd.s32 $0x20, s24;
	[tilespmem:s17+$0x6F40] =	vst v2  }
0x37: {  	s26 =	sadd.s32 $0x20, s26;
	v2 =	vld [tilespmem:s24+$0x0]  }
0x38: {  	s15 =	sadd.s32 $0x40, s15;
	v3 =	vld [tilespmem:s26+$0x0]  }
0x39: {  	_ =	sdelay $0x3  }
0x3a: {  	v2 =	vadd.f32 v3, v2;
	_ =	sdelay $0x1  }
0x3b: {  	v2 =	vmax.f32 v2, $1.000000000e+00  }
0x3c: {  	(erf) = vrcp.f32 v2;
	_ =	sdelay $0x1  }
0x3d: {  	v3 =	vld [tilespmem:s24+$0xFFFFFFF0]  }
0x3e: {  	v2 =	vld [tilespmem:s26+$0xFFFFFFF0];
	_ =	sdelay $0x4  }
0x3f: {  	s15 =	sshra.s32 s29, $0x2;
	v2 =	vadd.f32 v2, v3  }
0x40: {  	v3 =	vld [tilespmem:s15+$0x13290];
	v4 =	vpop (erf)  }
0x41: {  	v2 =	vmul.f32 v4, v2;
	_ =	sdelay $0x1  }
0x42: {  	v1 =	vadd.f32 v2, v1;
	_ =	sdelay $0x1  }
0x43: {  	v1 =	vadd.f32 v1, v3;
	_ =	sdelay $0x1  }
0x44: {  	v1 =	vmax.f32 v1, $0.0e+00  }
0x45: {  	s29 =	simm.s32 $0x0;
	[tilespmem:s15+$0x6F40] =	vst v1  }
0x46: {  	[hbm4b:s9+s29] =	stream.linear.scatter [tilespmem:s20], [sflag:$0x5], $0x2710, $0x38;
	[tilespmem:$0x180C0] =	vst v63  }
0x47: {  	_ =	swait.ge [sflag:s16], $0x2710  }
0x48: {  	[sflag:s16] =	ssyncset.done $0x0  }
0x49: {  	s24 =	simm.s32 $0x0;
	s15 =	simm.s32 $0x40;
	[sflag:s16] =	ssyncadd.s32 $0xFFFFD8F0  }
.LBB2_4:
0x4a: {  	p0 =	sne.s32 s15, $0x9C00;
	[tilespmem:s24+$0x6F40] =	vst v0;
	s17 =	smov.u32 s15;
	s15 =	sadd.s32 $0x40, s15  }
.Ltmp1:
0x4b: {  	(pc) =	sbr.rel @p0 .LBB2_4-.Ltmp1, $2  }
0x4c: {  	_ =	sdelay $0x2  }
0x4d: {  	s24 =	sshra.s32 s17, $0x2  }
0x4e: {  	[tilespmem:s24+$0x6F40] =	vst v0  }
0x4f: {  	[spmem:s10] =	stream.linear.scatter [tilespmem:s20], [sflag:$0x5], $0x2710, $0x38;
	[tilespmem:$0x180C0] =	vst v63  }
0x50: {  	_ =	swait.ge [sflag:s16], $0x2710  }
0x51: {  	[sflag:s16] =	ssyncset.done $0x0  }
0x52: {  	s15 =	simm.s32 $0x0;
	[sflag:s16] =	ssyncadd.s32 $0xFFFFD8F0  }
0x53: {  	[tilespmem:s15], [sflag:$0x5] =	stream.linear.gather [hbm4b:s11+s15], $0x2800, $0x38;
	[tilespmem:$0x180C0] =	vst v63  }
0x54: {  	_ =	swait.ge [sflag:s16], $0x2800  }
0x55: {  	[sflag:s16] =	ssyncset.done $0x0  }
0x56: {  	s17 =	simm.s32 $0x2800;
	[sflag:s16] =	ssyncadd.s32 $0xFFFFD800  }
0x57: {  	[tilespmem:s17], [sflag:$0x5] =	stream.linear.gather [hbm4b:s12+s15], $0x2800, $0x38;
	[tilespmem:$0x180C0] =	vst v63  }
0x58: {  	_ =	swait.ge [sflag:s16], $0x2800  }
0x59: {  	[sflag:s16] =	ssyncset.done $0x0  }
0x5a: {  	[sflag:s16] =	ssyncadd.s32 $0xFFFFD800  }
0x5b: {  	[bflag:$0x0] =	sbarrier.arrive $0xFFFF  }
0x5c: {  	[tilespmem:s23], [sflag:$0x1] =	stream.indirect.gather [hbm4b:s5+s22], $0x10, s15, s22, $0xb8;
	[tilespmem:$0x180C0] =	vst v63  }
0x5d: {  	s26 =	simm.s32 $0x80  }
0x5e: {  	[tilespmem:s25], [sflag:$0x2] =	stream.indirect.gather [hbm4b:s5+s22], $0x10, s26, s22, $0xb8;
	[tilespmem:$0x180C0] =	vst v63  }
0x5f: {  	s29 =	simm.s32 $0x100  }
0x60: {  	[tilespmem:s28], [sflag:$0x3] =	stream.indirect.gather [hbm4b:s5+s22], $0x10, s29, s22, $0xb8;
	[tilespmem:$0x180C0] =	vst v63  }
0x61: {  	s17 =	simm.s32 $0x180  }
0x62: {  	[tilespmem:s30], [sflag:$0x4] =	stream.indirect.gather [hbm4b:s5+s22], $0x10, s17, s22, $0xb8;
	[tilespmem:$0x180C0] =	vst v63  }
0x63: {  	_ =	swait.ge [sflag:s31], $0x7D0  }
0x64: {  	[sflag:s31] =	ssyncset.done $0x0  }
0x65: {  	s24 =	simm.s32 $0x2800;
	[sflag:s31] =	ssyncadd.s32 $0xFFFFF830  }
0x66: {  	[spmem:s3] =	stream.indirect.scatter.add.f32 [tilespmem:s23], [sflag:$0x5], $0x10, s24, s22, $0xb8;
	[tilespmem:$0x180C0] =	vst v63  }
0x67: {  	_ =	swait.ge [sflag:s16], $0x7D0  }
0x68: {  	[sflag:s16] =	ssyncset.done $0x0  }
0x69: {  	s26 =	simm.s32 $0x200;
	[sflag:s16] =	ssyncadd.s32 $0xFFFFF830  }
0x6a: {  	[tilespmem:s23], [sflag:$0x1] =	stream.indirect.gather [hbm4b:s5+s22], $0x10, s26, s22, $0xb8;
	[tilespmem:$0x180C0] =	vst v63  }
0x6b: {  	_ =	swait.ge [sflag:s0], $0x7D0  }
0x6c: {  	[sflag:s0] =	ssyncset.done $0x0  }
0x6d: {  	s29 =	simm.s32 $0x2880;
	[sflag:s0] =	ssyncadd.s32 $0xFFFFF830  }
0x6e: {  	[spmem:s3] =	stream.indirect.scatter.add.f32 [tilespmem:s25], [sflag:$0x5], $0x10, s29, s22, $0xb8;
	[tilespmem:$0x180C0] =	vst v63  }
0x6f: {  	_ =	swait.ge [sflag:s16], $0x7D0  }
0x70: {  	[sflag:s16] =	ssyncset.done $0x0  }
0x71: {  	s17 =	simm.s32 $0x280;
	[sflag:s16] =	ssyncadd.s32 $0xFFFFF830  }
0x72: {  	[tilespmem:s25], [sflag:$0x2] =	stream.indirect.gather [hbm4b:s5+s22], $0x10, s17, s22, $0xb8;
	[tilespmem:$0x180C0] =	vst v63  }
0x73: {  	_ =	swait.ge [sflag:s1], $0x7D0  }
0x74: {  	[sflag:s1] =	ssyncset.done $0x0  }
0x75: {  	s24 =	simm.s32 $0x2900;
	[sflag:s1] =	ssyncadd.s32 $0xFFFFF830  }
0x76: {  	[spmem:s3] =	stream.indirect.scatter.add.f32 [tilespmem:s28], [sflag:$0x5], $0x10, s24, s22, $0xb8;
	[tilespmem:$0x180C0] =	vst v63  }
0x77: {  	_ =	swait.ge [sflag:s16], $0x7D0  }
0x78: {  	[sflag:s16] =	ssyncset.done $0x0  }
0x79: {  	s26 =	simm.s32 $0x300;
	[sflag:s16] =	ssyncadd.s32 $0xFFFFF830  }
0x7a: {  	[tilespmem:s28], [sflag:$0x3] =	stream.indirect.gather [hbm4b:s5+s22], $0x10, s26, s22, $0xb8;
	[tilespmem:$0x180C0] =	vst v63  }
0x7b: {  	_ =	swait.ge [sflag:s2], $0x7D0  }
0x7c: {  	[sflag:s2] =	ssyncset.done $0x0  }
0x7d: {  	s29 =	simm.s32 $0x2980;
	[sflag:s2] =	ssyncadd.s32 $0xFFFFF830  }
0x7e: {  	[spmem:s3] =	stream.indirect.scatter.add.f32 [tilespmem:s30], [sflag:$0x5], $0x10, s29, s22, $0xb8;
	[tilespmem:$0x180C0] =	vst v63  }
0x7f: {  	_ =	swait.ge [sflag:s16], $0x7D0  }
0x80: {  	[sflag:s16] =	ssyncset.done $0x0  }
0x81: {  	s15 =	simm.s32 $0x380;
	s24 =	simm.s32 $0x800;
	[sflag:s16] =	ssyncadd.s32 $0xFFFFF830  }
.LBB2_6:
0x82: {  	[tilespmem:s30], [sflag:$0x4] =	stream.indirect.gather [hbm4b:s5+s22], $0x10, s15, s22, $0xb8;
	[tilespmem:$0x180C0] =	vst v63  }
0x83: {  	s15 =	smov.u32 s24  }
0x84: {  	p0 =	sne.s32 s24, $0x9000;
	s24 =	sadd.s32 $0x800, s24;
	_ =	swait.ge [sflag:s31], $0x7D0  }
0x85: {  	s26 =	sshra.s32 s15, $0x2;
	[sflag:s31] =	ssyncset.done $0x0  }
0x86: {  	s15 =	sadd.s32 $0x2800, s26;
	[sflag:s31] =	ssyncadd.s32 $0xFFFFF830  }
0x87: {  	[spmem:s3] =	stream.indirect.scatter.add.f32 [tilespmem:s23], [sflag:$0x5], $0x10, s15, s22, $0xb8;
	[tilespmem:$0x180C0] =	vst v63  }
0x88: {  	_ =	swait.ge [sflag:s16], $0x7D0  }
0x89: {  	[sflag:s16] =	ssyncset.done $0x0  }
0x8a: {  	s15 =	sadd.s32 $0x200, s26;
	[sflag:s16] =	ssyncadd.s32 $0xFFFFF830  }
0x8b: {  	[tilespmem:s23], [sflag:$0x1] =	stream.indirect.gather [hbm4b:s5+s22], $0x10, s15, s22, $0xb8;
	[tilespmem:$0x180C0] =	vst v63  }
0x8c: {  	_ =	swait.ge [sflag:s0], $0x7D0  }
0x8d: {  	[sflag:s0] =	ssyncset.done $0x0  }
0x8e: {  	s15 =	sadd.s32 $0x2880, s26;
	[sflag:s0] =	ssyncadd.s32 $0xFFFFF830  }
0x8f: {  	[spmem:s3] =	stream.indirect.scatter.add.f32 [tilespmem:s25], [sflag:$0x5], $0x10, s15, s22, $0xb8;
	[tilespmem:$0x180C0] =	vst v63  }
0x90: {  	_ =	swait.ge [sflag:s16], $0x7D0  }
0x91: {  	[sflag:s16] =	ssyncset.done $0x0  }
0x92: {  	s15 =	sadd.s32 $0x280, s26;
	[sflag:s16] =	ssyncadd.s32 $0xFFFFF830  }
0x93: {  	[tilespmem:s25], [sflag:$0x2] =	stream.indirect.gather [hbm4b:s5+s22], $0x10, s15, s22, $0xb8;
	[tilespmem:$0x180C0] =	vst v63  }
0x94: {  	_ =	swait.ge [sflag:s1], $0x7D0  }
0x95: {  	[sflag:s1] =	ssyncset.done $0x0  }
0x96: {  	s15 =	sadd.s32 $0x2900, s26;
	[sflag:s1] =	ssyncadd.s32 $0xFFFFF830  }
0x97: {  	[spmem:s3] =	stream.indirect.scatter.add.f32 [tilespmem:s28], [sflag:$0x5], $0x10, s15, s22, $0xb8;
	[tilespmem:$0x180C0] =	vst v63  }
0x98: {  	_ =	swait.ge [sflag:s16], $0x7D0  }
0x99: {  	[sflag:s16] =	ssyncset.done $0x0  }
0x9a: {  	s15 =	sadd.s32 $0x300, s26;
	[sflag:s16] =	ssyncadd.s32 $0xFFFFF830  }
0x9b: {  	[tilespmem:s28], [sflag:$0x3] =	stream.indirect.gather [hbm4b:s5+s22], $0x10, s15, s22, $0xb8;
	[tilespmem:$0x180C0] =	vst v63  }
0x9c: {  	_ =	swait.ge [sflag:s2], $0x7D0  }
0x9d: {  	[sflag:s2] =	ssyncset.done $0x0  }
.Ltmp2:
0x9e: {  	s15 =	sadd.s32 $0x2980, s26;
	[sflag:s2] =	ssyncadd.s32 $0xFFFFF830;
	(pc) =	sbr.rel @p0 .LBB2_6-.Ltmp2, $4  }
0x9f: {  	[spmem:s3] =	stream.indirect.scatter.add.f32 [tilespmem:s30], [sflag:$0x5], $0x10, s15, s22, $0xb8;
	[tilespmem:$0x180C0] =	vst v63  }
0xa0: {  	_ =	swait.ge [sflag:s16], $0x7D0  }
0xa1: {  	[sflag:s16] =	ssyncset.done $0x0  }
0xa2: {  	s15 =	sadd.s32 $0x380, s26;
	[sflag:s16] =	ssyncadd.s32 $0xFFFFF830  }
0xa3: {  	[tilespmem:s30], [sflag:$0x4] =	stream.indirect.gather [hbm4b:s5+s22], $0x10, s15, s22, $0xb8;
	[tilespmem:$0x180C0] =	vst v63  }
0xa4: {  	_ =	swait.ge [sflag:s31], $0x7D0  }
0xa5: {  	[sflag:s31] =	ssyncset.done $0x0  }
0xa6: {  	s26 =	simm.s32 $0x4E00;
	[sflag:s31] =	ssyncadd.s32 $0xFFFFF830  }
0xa7: {  	[spmem:s3] =	stream.indirect.scatter.add.f32 [tilespmem:s23], [sflag:$0x5], $0x10, s26, s22, $0xb8;
	[tilespmem:$0x180C0] =	vst v63  }
0xa8: {  	_ =	swait.ge [sflag:s16], $0x7D0  }
0xa9: {  	[sflag:s16] =	ssyncset.done $0x0  }
0xaa: {  	[sflag:s16] =	ssyncadd.s32 $0xFFFFF830  }
0xab: {  	_ =	swait.ge [sflag:s0], $0x7D0  }
0xac: {  	[sflag:s0] =	ssyncset.done $0x0  }
0xad: {  	s29 =	simm.s32 $0x4E80;
	[sflag:s0] =	ssyncadd.s32 $0xFFFFF830  }
0xae: {  	[spmem:s3] =	stream.indirect.scatter.add.f32 [tilespmem:s25], [sflag:$0x5], $0x10, s29, s22, $0xb8;
	[tilespmem:$0x180C0] =	vst v63  }
0xaf: {  	_ =	swait.ge [sflag:s16], $0x7D0  }
0xb0: {  	[sflag:s16] =	ssyncset.done $0x0  }
0xb1: {  	[sflag:s16] =	ssyncadd.s32 $0xFFFFF830  }
0xb2: {  	_ =	swait.ge [sflag:s1], $0x7D0  }
0xb3: {  	[sflag:s1] =	ssyncset.done $0x0  }
0xb4: {  	[sflag:s1] =	ssyncadd.s32 $0xFFFFF830  }
0xb5: {  	[spmem:s3] =	stream.indirect.scatter.add.f32 [tilespmem:s28], [sflag:$0x5], $0x10, s18, s22, $0xb8;
	[tilespmem:$0x180C0] =	vst v63  }
0xb6: {  	_ =	swait.ge [sflag:s16], $0x7D0  }
0xb7: {  	[sflag:s16] =	ssyncset.done $0x0  }
0xb8: {  	[sflag:s16] =	ssyncadd.s32 $0xFFFFF830  }
0xb9: {  	_ =	swait.ge [sflag:s2], $0x7D0  }
0xba: {  	[sflag:s2] =	ssyncset.done $0x0  }
0xbb: {  	[sflag:s2] =	ssyncadd.s32 $0xFFFFF830  }
0xbc: {  	[spmem:s3] =	stream.indirect.scatter.add.f32 [tilespmem:s30], [sflag:$0x5], $0x10, s19, s22, $0xb8;
	[tilespmem:$0x180C0] =	vst v63  }
0xbd: {  	_ =	swait.ge [sflag:s16], $0x7D0  }
0xbe: {  	[sflag:s16] =	ssyncset.done $0x0  }
0xbf: {  	[sflag:s16] =	ssyncadd.s32 $0xFFFFF830  }
0xc0: {  	[bflag:$0x0] =	sbarrier.arrive $0xFFFF  }
0xc1: {  	[tilespmem:s20], [sflag:$0x5] =	stream.linear.gather [spmem:s10], $0x2710, $0x38;
	[tilespmem:$0x180C0] =	vst v63  }
0xc2: {  	s21 =	sadd.s32 $0x1, s21;
	_ =	swait.ge [sflag:s16], $0x2710  }
0xc3: {  	p0 =	sne.s32 s21, s14;
	[sflag:s16] =	ssyncset.done $0x0  }
.Ltmp3:
0xc4: {  	[sflag:s16] =	ssyncadd.s32 $0xFFFFD8F0;
	(pc) =	sbr.rel @p0 .LBB2_1-.Ltmp3, $4  }
0xc5: {  	[hbm4b:s13+s4] =	stream.linear.scatter [tilespmem:s20], [sflag:$0x5], $0x2710, $0x38;
	[tilespmem:$0x180C0] =	vst v63  }
0xc6: {  	_ =	swait.ge [sflag:s16], $0x2710  }
0xc7: {  	[sflag:s16] =	ssyncset.done $0x0  }
0xc8: {  	[sflag:s16] =	ssyncadd.s32 $0xFFFFD8F0  }
0xc9: {  	_ =	sfence.sel $0x180000  }
0xca: {  	[bflag:$0x0] =	sbarrier.arrive $0xFFFF  }
0xcb: {  	_ =	strace $0x9000004A  }
0xcc: {  	s0 =	stileid.u32;
	[bflag:$0x2] =	sbarrier.arrive $0xFFFF  }
0xcd: {  	p0 =	sne.s32 s0, $0x0;
	s0 =	rddreg [dreg:$0x4]  }
0xce: {  	s0 =	sadd.s32 @!p0 $0x100000, s0  }
0xcf: {  	[sflag:s0] =	ssyncadd.tile.s32 @!p0 $0x1;
	_ =	shalt  }
.Lfunc_end2:
_tile_overlayer_lowered:
.L_overlay_start_2:
0xd0: {  	(tag) =	ssettag $0x2  }
0xd1: {  	s0 =	rddreg [dreg:$0x0];
	s2 =	stileid.u32  }
0xd2: {  	s1 =	rddreg [dreg:$0x1];
	p0 =	sne.s32 s2, $0x0  }
0xd3: {  	s3 =	rddreg [dreg:$0x2];
	[bflag:$0x3] =	sbarrier.arrive $0xFFFF;
	s2 =	simm.s32 @!p0 $0x1C05  }
0xd4: {  	[timem:s3], [sflag:s2] =	dma.local @!p0 [hbm:s0], s1  }
0xd5: {  	s0 =	simm.s32 @!p0 $0x5  }
0xd6: {  	_ =	swait.ge @!p0 [sflag:s0], s1  }
0xd7: {  	s1 =	ssub.s32 @!p0 $0x0, s1;
	[sflag:s0] =	ssyncset.done @!p0 $0x0  }
0xd8: {  	[sflag:s0] =	ssyncadd.s32 @!p0 s1  }
0xd9: {  	[bflag:$0x3] =	sbarrier.arrive $0xFFFF  }
0xda: {  	_ =	shalt  }

</sc_bundles>
